<compile_context>
chip_gen: v7x
topology: tpu7x:2x2x1
jax: 0.10.2.dev20260603
libtpu: 0.0.44.dev20260713+nightly
codegen_flags: <defaults>
</compile_context>

<pallas_src>
import functools
import math

import jax
import jax.numpy as jnp
from jax import lax
from jax.experimental import pallas as pl
from jax.experimental.pallas import tpu as pltpu
from jax.experimental.pallas import tpu_sc as plsc

D_MODEL = 64
SCALE = math.sqrt(D_MODEL)

IDX_ROW = 128
STREAMS_PER_CHUNK = 2
CHUNK = IDX_ROW * STREAMS_PER_CHUNK


@functools.partial(jax.jit, static_argnums=(2, 3, 4))
def _sc_embed(x_flat3, table, nw, b_per_w, n_chunks):
    B = nw * b_per_w
    mesh = plsc.VectorSubcoreMesh(core_axis_name="c", subcore_axis_name="s")
    num_cores = 2

    @functools.partial(
        pl.kernel,
        out_type=jax.ShapeDtypeStruct((B, D_MODEL), jnp.float32),
        mesh=mesh,
        compiler_params=pltpu.CompilerParams(use_tc_tiling_on_sc=False),
        scratch_types=[
            pltpu.VMEM((b_per_w // IDX_ROW, IDX_ROW), jnp.int32),
            pltpu.VMEM((2, CHUNK, D_MODEL), jnp.float32),
            pltpu.VMEM((2, CHUNK, D_MODEL), jnp.float32),
            pltpu.SemaphoreType.DMA,
            pltpu.SemaphoreType.DMA,
        ],
    )
    def body(x_hbm, tbl_hbm, out_hbm, idx_v, grow_v, wrow_v, gsem, wsem):
        wid = lax.axis_index("s") * num_cores + lax.axis_index("c")
        base = wid * b_per_w
        pltpu.sync_copy(x_hbm.at[wid], idx_v)

        def gather_desc(g, slot):
            cps = []
            for k in range(STREAMS_PER_CHUNK):
                cps.append(
                    pltpu.make_async_copy(
                        tbl_hbm.at[idx_v.at[g * STREAMS_PER_CHUNK + k]],
                        grow_v.at[slot, pl.ds(k * IDX_ROW, IDX_ROW)],
                        gsem,
                    )
                )
            return cps

        def write_desc(g, slot):
            return pltpu.make_async_copy(
                wrow_v.at[slot],
                out_hbm.at[pl.ds(base + g * CHUNK, CHUNK)],
                wsem,
            )

        for b in range(2):
            for cp in gather_desc(b, b):
                cp.start()

        def step(g, slot):
            for cp in gather_desc(g, slot):
                cp.wait()
            pl.when(g >= 2)(lambda: write_desc(g - 2, slot).wait())

            def scale_iter(i, _):
                for r in range(8):
                    row = i * 8 + r
                    for c in range(D_MODEL // 16):
                        sl = pl.ds(c * 16, 16)
                        wrow_v[slot, row, sl] = grow_v[slot, row, sl] * SCALE
                return _

            lax.fori_loop(0, CHUNK // 8, scale_iter, None)
            write_desc(g, slot).start()

            def prefetch():
                for cp in gather_desc(g + 2, slot):
                    cp.start()

            pl.when(g + 2 < n_chunks)(prefetch)

        def pair_step(i, _):
            for b in range(2):
                step(2 * i + b, b)
            return _

        lax.fori_loop(0, n_chunks // 2, pair_step, None)
        write_desc(n_chunks - 2, 0).wait()
        write_desc(n_chunks - 1, 1).wait()

    return body(x_flat3, table)


def kernel(x, table):
    B = x.shape[0] * x.shape[1]
    info = plsc.get_sparse_core_info()
    nw = info.num_cores * info.num_subcores
    b_per_w = B // nw
    n_chunks = b_per_w // CHUNK
    x3 = x.reshape(nw, b_per_w // IDX_ROW, IDX_ROW)
    rows = _sc_embed(x3, table, nw, b_per_w, n_chunks)
    return rows.reshape(x.shape[0], x.shape[1], D_MODEL)

# --- scband reference (transcript-rebuilt; emitter-appended) ---
"""Pipeline reference for scband-embeddings-28381143892251 (READ-ONLY COPY).

The authoritative reference and input builder live on the scoring server;
editing this copy changes nothing except your own understanding.
"""

import math
import jax, jax.numpy as jnp
import numpy as np

D_MODEL = 64
VOCAB = 1000000

def setup_inputs(seed: int = 0) -> dict:
    key = jax.random.key(seed)
    k1, k2 = jax.random.split(key)
    x = jax.random.randint(k1, (4096, 200), 0, VOCAB, dtype=jnp.int64 if jax.config.jax_enable_x64 else jnp.int32).astype(jnp.int32)
    # Embedding table initialized like nn.Embedding (N(0,1))
    table = jax.random.normal(k2, (VOCAB, D_MODEL), dtype=jnp.float32)
    return {"x": x, "table": table}

def reference(x, table):
    # Faithful translation of: self.embed(x) * math.sqrt(self.d_model)
    emb = jnp.take(table, x, axis=0)
    return emb * math.sqrt(D_MODEL)

if __name__ == "__main__":
    import jax
    _d = setup_inputs()
    print(jax.jit(kernel)(*tuple(_d.values())))

</pallas_src>

<mosaic_0001>
#map = affine_map<(d0, d1) -> (0, 0, 0)>
#map1 = affine_map<(d0, d1) -> (0, 0)>
module attributes {stable_mosaic.version = 14 : i64} {
  func.func @body(%arg0: i32, %arg1: i32, %arg2: memref<32x200x128xi32, #tpu.memory_space<hbm>>, %arg3: memref<1000000x64xf32, #tpu.memory_space<hbm>>, %arg4: memref<819200x64xf32, #tpu.memory_space<hbm>>, %arg5: memref<200x128xi32, #tpu.memory_space<vmem>>, %arg6: memref<2x256x64xf32, #tpu.memory_space<vmem>>, %arg7: memref<2x256x64xf32, #tpu.memory_space<vmem>>, %arg8: memref<!tpu.dma_semaphore, #tpu.memory_space<semaphore_mem>>, %arg9: memref<!tpu.dma_semaphore, #tpu.memory_space<semaphore_mem>>) attributes {dimension_semantics = [#tpu.dimension_semantics<core_parallel>, #tpu.dimension_semantics<subcore_parallel>], iteration_bounds = array<i64: 2, 16>, scalar_prefetch = 0 : i64, scratch_operands = 5 : i64, tpu.core_type = #tpu.core_type<sc_vector_subcore>, window_params = [{transform_indices = #map}, {transform_indices = #map1}, {transform_indices = #map1}]} {
    %mul3A = arith.constant 2 : i32
    %mul3A_0 = arith.muli %arg1, %mul3A : i32
    %add3A = arith.addi %mul3A_0, %arg0 : i32
    %mul3A_1 = arith.constant 25600 : i32
    %mul3A_2 = arith.muli %add3A, %mul3A_1 : i32
    "tpu.region"() ({
      %run_scoped3A = tpu.sem_alloc : memref<!tpu.dma_semaphore, #tpu.memory_space<semaphore_mem>>
      %dma_start3A_83 = arith.constant 0 : i32
      %dma_start3A_84 = arith.constant 0 : i32
      %dma_start3A_85 = tpu.memref_slice %arg2[%add3A, %dma_start3A_83, %dma_start3A_84] : memref<32x200x128xi32, #tpu.memory_space<hbm>> -> memref<1x200x128xi32, #tpu.memory_space<hbm>>
      %dma_start3A_86 = tpu.memref_squeeze %dma_start3A_85 : memref<1x200x128xi32, #tpu.memory_space<hbm>> -> memref<200x128xi32, #tpu.memory_space<hbm>>
      %dma_start3A_87 = arith.constant 0 : i32
      %dma_start3A_88 = arith.constant 0 : i32
      %dma_start3A_89 = tpu.memref_slice %arg2[%add3A, %dma_start3A_87, %dma_start3A_88] : memref<32x200x128xi32, #tpu.memory_space<hbm>> -> memref<1x200x128xi32, #tpu.memory_space<hbm>>
      %dma_start3A_90 = tpu.memref_squeeze %dma_start3A_89 : memref<1x200x128xi32, #tpu.memory_space<hbm>> -> memref<200x128xi32, #tpu.memory_space<hbm>>
      tpu.enqueue_dma source(%dma_start3A_90 : memref<200x128xi32, #tpu.memory_space<hbm>>) target(%arg5 : memref<200x128xi32, #tpu.memory_space<vmem>>) target_semaphore(%run_scoped3A : memref<!tpu.dma_semaphore, #tpu.memory_space<semaphore_mem>>)
      %dma_wait3A_91 = arith.constant 0 : i32
      %dma_wait3A_92 = arith.constant 0 : i32
      %dma_wait3A_93 = tpu.memref_slice %arg2[%add3A, %dma_wait3A_91, %dma_wait3A_92] : memref<32x200x128xi32, #tpu.memory_space<hbm>> -> memref<1x200x128xi32, #tpu.memory_space<hbm>>
      %dma_wait3A_94 = tpu.memref_squeeze %dma_wait3A_93 : memref<1x200x128xi32, #tpu.memory_space<hbm>> -> memref<200x128xi32, #tpu.memory_space<hbm>>
      %dma_wait3A_95 = arith.constant 0 : i32
      %dma_wait3A_96 = arith.constant 0 : i32
      %dma_wait3A_97 = tpu.memref_slice %arg2[%add3A, %dma_wait3A_95, %dma_wait3A_96] : memref<32x200x128xi32, #tpu.memory_space<hbm>> -> memref<1x200x128xi32, #tpu.memory_space<hbm>>
      %dma_wait3A_98 = tpu.memref_squeeze %dma_wait3A_97 : memref<1x200x128xi32, #tpu.memory_space<hbm>> -> memref<200x128xi32, #tpu.memory_space<hbm>>
      tpu.wait_dma2 semaphore(%run_scoped3A : memref<!tpu.dma_semaphore, #tpu.memory_space<semaphore_mem>>) src(%dma_wait3A_98 : memref<200x128xi32, #tpu.memory_space<hbm>>) dst(%arg5 : memref<200x128xi32, #tpu.memory_space<vmem>>)
      tpu.yield
    }) : () -> ()
    %dma_start3A = arith.constant 0 : i32
    %dma_start3A_3 = arith.constant 0 : i32
    %dma_start3A_4 = arith.constant 0 : i32
    %dma_start3A_5 = arith.constant 0 : i32
    %dma_start3A_6 = tpu.memref_slice %arg6[%dma_start3A_3, %dma_start3A_4, %dma_start3A_5] : memref<2x256x64xf32, #tpu.memory_space<vmem>> -> memref<1x128x64xf32, #tpu.memory_space<vmem>>
    %dma_start3A_7 = tpu.memref_squeeze %dma_start3A_6 : memref<1x128x64xf32, #tpu.memory_space<vmem>> -> memref<128x64xf32, #tpu.memory_space<vmem>>
    %dma_start3A_8 = arith.constant 0 : i32
    %dma_start3A_9 = tpu.memref_slice %arg5[%dma_start3A, %dma_start3A_8] : memref<200x128xi32, #tpu.memory_space<vmem>> -> memref<1x128xi32, #tpu.memory_space<vmem>>
    %dma_start3A_10 = tpu.memref_squeeze %dma_start3A_9 : memref<1x128xi32, #tpu.memory_space<vmem>> -> memref<128xi32, #tpu.memory_space<vmem>>
    %dma_start3A_11 = arith.constant 0 : i32
    %dma_start3A_12 = arith.constant 0 : i32
    %dma_start3A_13 = tpu.memref_slice %arg3[%dma_start3A_11, %dma_start3A_12] : memref<1000000x64xf32, #tpu.memory_space<hbm>> -> memref<1000000x64xf32, #tpu.memory_space<hbm>>
    tpu.enqueue_indirect_dma source(%dma_start3A_13 : memref<1000000x64xf32, #tpu.memory_space<hbm>>) target(%dma_start3A_7 : memref<128x64xf32, #tpu.memory_space<vmem>>) offsets(%dma_start3A_10 : memref<128xi32, #tpu.memory_space<vmem>>) semaphore(%arg8 : memref<!tpu.dma_semaphore, #tpu.memory_space<semaphore_mem>>)
    %dma_start3A_14 = arith.constant 1 : i32
    %dma_start3A_15 = arith.constant 0 : i32
    %dma_start3A_16 = arith.constant 128 : i32
    %dma_start3A_17 = arith.constant 0 : i32
    %dma_start3A_18 = tpu.memref_slice %arg6[%dma_start3A_15, %dma_start3A_16, %dma_start3A_17] : memref<2x256x64xf32, #tpu.memory_space<vmem>> -> memref<1x128x64xf32, #tpu.memory_space<vmem>>
    %dma_start3A_19 = tpu.memref_squeeze %dma_start3A_18 : memref<1x128x64xf32, #tpu.memory_space<vmem>> -> memref<128x64xf32, #tpu.memory_space<vmem>>
    %dma_start3A_20 = arith.constant 0 : i32
    %dma_start3A_21 = tpu.memref_slice %arg5[%dma_start3A_14, %dma_start3A_20] : memref<200x128xi32, #tpu.memory_space<vmem>> -> memref<1x128xi32, #tpu.memory_space<vmem>>
    %dma_start3A_22 = tpu.memref_squeeze %dma_start3A_21 : memref<1x128xi32, #tpu.memory_space<vmem>> -> memref<128xi32, #tpu.memory_space<vmem>>
    %dma_start3A_23 = arith.constant 0 : i32
    %dma_start3A_24 = arith.constant 0 : i32
    %dma_start3A_25 = tpu.memref_slice %arg3[%dma_start3A_23, %dma_start3A_24] : memref<1000000x64xf32, #tpu.memory_space<hbm>> -> memref<1000000x64xf32, #tpu.memory_space<hbm>>
    tpu.enqueue_indirect_dma source(%dma_start3A_25 : memref<1000000x64xf32, #tpu.memory_space<hbm>>) target(%dma_start3A_19 : memref<128x64xf32, #tpu.memory_space<vmem>>) offsets(%dma_start3A_22 : memref<128xi32, #tpu.memory_space<vmem>>) semaphore(%arg8 : memref<!tpu.dma_semaphore, #tpu.memory_space<semaphore_mem>>)
    %dma_start3A_26 = arith.constant 2 : i32
    %dma_start3A_27 = arith.constant 1 : i32
    %dma_start3A_28 = arith.constant 0 : i32
    %dma_start3A_29 = arith.constant 0 : i32
    %dma_start3A_30 = tpu.memref_slice %arg6[%dma_start3A_27, %dma_start3A_28, %dma_start3A_29] : memref<2x256x64xf32, #tpu.memory_space<vmem>> -> memref<1x128x64xf32, #tpu.memory_space<vmem>>
    %dma_start3A_31 = tpu.memref_squeeze %dma_start3A_30 : memref<1x128x64xf32, #tpu.memory_space<vmem>> -> memref<128x64xf32, #tpu.memory_space<vmem>>
    %dma_start3A_32 = arith.constant 0 : i32
    %dma_start3A_33 = tpu.memref_slice %arg5[%dma_start3A_26, %dma_start3A_32] : memref<200x128xi32, #tpu.memory_space<vmem>> -> memref<1x128xi32, #tpu.memory_space<vmem>>
    %dma_start3A_34 = tpu.memref_squeeze %dma_start3A_33 : memref<1x128xi32, #tpu.memory_space<vmem>> -> memref<128xi32, #tpu.memory_space<vmem>>
    %dma_start3A_35 = arith.constant 0 : i32
    %dma_start3A_36 = arith.constant 0 : i32
    %dma_start3A_37 = tpu.memref_slice %arg3[%dma_start3A_35, %dma_start3A_36] : memref<1000000x64xf32, #tpu.memory_space<hbm>> -> memref<1000000x64xf32, #tpu.memory_space<hbm>>
    tpu.enqueue_indirect_dma source(%dma_start3A_37 : memref<1000000x64xf32, #tpu.memory_space<hbm>>) target(%dma_start3A_31 : memref<128x64xf32, #tpu.memory_space<vmem>>) offsets(%dma_start3A_34 : memref<128xi32, #tpu.memory_space<vmem>>) semaphore(%arg8 : memref<!tpu.dma_semaphore, #tpu.memory_space<semaphore_mem>>)
    %dma_start3A_38 = arith.constant 3 : i32
    %dma_start3A_39 = arith.constant 1 : i32
    %dma_start3A_40 = arith.constant 128 : i32
    %dma_start3A_41 = arith.constant 0 : i32
    %dma_start3A_42 = tpu.memref_slice %arg6[%dma_start3A_39, %dma_start3A_40, %dma_start3A_41] : memref<2x256x64xf32, #tpu.memory_space<vmem>> -> memref<1x128x64xf32, #tpu.memory_space<vmem>>
    %dma_start3A_43 = tpu.memref_squeeze %dma_start3A_42 : memref<1x128x64xf32, #tpu.memory_space<vmem>> -> memref<128x64xf32, #tpu.memory_space<vmem>>
    %dma_start3A_44 = arith.constant 0 : i32
    %dma_start3A_45 = tpu.memref_slice %arg5[%dma_start3A_38, %dma_start3A_44] : memref<200x128xi32, #tpu.memory_space<vmem>> -> memref<1x128xi32, #tpu.memory_space<vmem>>
    %dma_start3A_46 = tpu.memref_squeeze %dma_start3A_45 : memref<1x128xi32, #tpu.memory_space<vmem>> -> memref<128xi32, #tpu.memory_space<vmem>>
    %dma_start3A_47 = arith.constant 0 : i32
    %dma_start3A_48 = arith.constant 0 : i32
    %dma_start3A_49 = tpu.memref_slice %arg3[%dma_start3A_47, %dma_start3A_48] : memref<1000000x64xf32, #tpu.memory_space<hbm>> -> memref<1000000x64xf32, #tpu.memory_space<hbm>>
    tpu.enqueue_indirect_dma source(%dma_start3A_49 : memref<1000000x64xf32, #tpu.memory_space<hbm>>) target(%dma_start3A_43 : memref<128x64xf32, #tpu.memory_space<vmem>>) offsets(%dma_start3A_46 : memref<128xi32, #tpu.memory_space<vmem>>) semaphore(%arg8 : memref<!tpu.dma_semaphore, #tpu.memory_space<semaphore_mem>>)
    %scan3A = arith.constant 0 : i32
    %scan3A_50 = arith.constant 50 : i32
    %scan3A_51 = arith.addi %scan3A, %scan3A_50 : i32
    %scan3A_52 = arith.constant 1 : i32
    scf.for %scan3A_83 = %scan3A to %scan3A_51 step %scan3A_52  : i32 {
      %mul3A_84 = arith.constant 2 : i32
      %mul3A_85 = arith.muli %mul3A_84, %scan3A_83 : i32
      %add3A_86 = arith.constant 0 : i32
      %add3A_87 = arith.addi %mul3A_85, %add3A_86 : i32
      %mul3A_88 = arith.constant 2 : i32
      %mul3A_89 = arith.muli %add3A_87, %mul3A_88 : i32
      %add3A_90 = arith.constant 0 : i32
      %add3A_91 = arith.addi %mul3A_89, %add3A_90 : i32
      %mul3A_92 = arith.constant 2 : i32
      %mul3A_93 = arith.muli %add3A_87, %mul3A_92 : i32
      %add3A_94 = arith.constant 1 : i32
      %add3A_95 = arith.addi %mul3A_93, %add3A_94 : i32
      %dma_wait3A_96 = arith.constant 0 : i32
      %dma_wait3A_97 = arith.constant 0 : i32
      %dma_wait3A_98 = arith.constant 0 : i32
      %dma_wait3A_99 = tpu.memref_slice %arg6[%dma_wait3A_96, %dma_wait3A_97, %dma_wait3A_98] : memref<2x256x64xf32, #tpu.memory_space<vmem>> -> memref<1x128x64xf32, #tpu.memory_space<vmem>>
      %dma_wait3A_100 = tpu.memref_squeeze %dma_wait3A_99 : memref<1x128x64xf32, #tpu.memory_space<vmem>> -> memref<128x64xf32, #tpu.memory_space<vmem>>
      %dma_wait3A_101 = arith.constant 0 : i32
      %dma_wait3A_102 = tpu.memref_slice %arg5[%add3A_91, %dma_wait3A_101] : memref<200x128xi32, #tpu.memory_space<vmem>> -> memref<1x128xi32, #tpu.memory_space<vmem>>
      %dma_wait3A_103 = tpu.memref_squeeze %dma_wait3A_102 : memref<1x128xi32, #tpu.memory_space<vmem>> -> memref<128xi32, #tpu.memory_space<vmem>>
      %dma_wait3A_104 = arith.constant 0 : i32
      %dma_wait3A_105 = arith.constant 0 : i32
      %dma_wait3A_106 = tpu.memref_slice %arg3[%dma_wait3A_104, %dma_wait3A_105] : memref<1000000x64xf32, #tpu.memory_space<hbm>> -> memref<1000000x64xf32, #tpu.memory_space<hbm>>
      tpu.wait_indirect_dma semaphore(%arg8 : memref<!tpu.dma_semaphore, #tpu.memory_space<semaphore_mem>>) src(%dma_wait3A_106 : memref<1000000x64xf32, #tpu.memory_space<hbm>>) dst(%dma_wait3A_100 : memref<128x64xf32, #tpu.memory_space<vmem>>)
      %dma_wait3A_107 = arith.constant 0 : i32
      %dma_wait3A_108 = arith.constant 128 : i32
      %dma_wait3A_109 = arith.constant 0 : i32
      %dma_wait3A_110 = tpu.memref_slice %arg6[%dma_wait3A_107, %dma_wait3A_108, %dma_wait3A_109] : memref<2x256x64xf32, #tpu.memory_space<vmem>> -> memref<1x128x64xf32, #tpu.memory_space<vmem>>
      %dma_wait3A_111 = tpu.memref_squeeze %dma_wait3A_110 : memref<1x128x64xf32, #tpu.memory_space<vmem>> -> memref<128x64xf32, #tpu.memory_space<vmem>>
      %dma_wait3A_112 = arith.constant 0 : i32
      %dma_wait3A_113 = tpu.memref_slice %arg5[%add3A_95, %dma_wait3A_112] : memref<200x128xi32, #tpu.memory_space<vmem>> -> memref<1x128xi32, #tpu.memory_space<vmem>>
      %dma_wait3A_114 = tpu.memref_squeeze %dma_wait3A_113 : memref<1x128xi32, #tpu.memory_space<vmem>> -> memref<128xi32, #tpu.memory_space<vmem>>
      %dma_wait3A_115 = arith.constant 0 : i32
      %dma_wait3A_116 = arith.constant 0 : i32
      %dma_wait3A_117 = tpu.memref_slice %arg3[%dma_wait3A_115, %dma_wait3A_116] : memref<1000000x64xf32, #tpu.memory_space<hbm>> -> memref<1000000x64xf32, #tpu.memory_space<hbm>>
      tpu.wait_indirect_dma semaphore(%arg8 : memref<!tpu.dma_semaphore, #tpu.memory_space<semaphore_mem>>) src(%dma_wait3A_117 : memref<1000000x64xf32, #tpu.memory_space<hbm>>) dst(%dma_wait3A_111 : memref<128x64xf32, #tpu.memory_space<vmem>>)
      %ge3A = arith.constant 2 : i32
      %ge3A_118 = arith.cmpi sge, %add3A_87, %ge3A : i32
      %convert_element_type3A = arith.extui %ge3A_118 : i1 to i32
      %cond3A = arith.constant 0 : i32
      %cond3A_119 = arith.cmpi ne, %convert_element_type3A, %cond3A : i32
      scf.if %cond3A_119 {
        %sub3A = arith.constant 2 : i32
        %sub3A_214 = arith.subi %add3A_87, %sub3A : i32
        %mul3A_215 = arith.constant 256 : i32
        %mul3A_216 = arith.muli %sub3A_214, %mul3A_215 : i32
        %add3A_217 = arith.addi %mul3A_2, %mul3A_216 : i32
        %dma_wait3A_218 = arith.constant 0 : i32
        %dma_wait3A_219 = arith.constant 0 : i32
        %dma_wait3A_220 = arith.constant 0 : i32
        %dma_wait3A_221 = tpu.memref_slice %arg7[%dma_wait3A_218, %dma_wait3A_219, %dma_wait3A_220] : memref<2x256x64xf32, #tpu.memory_space<vmem>> -> memref<1x256x64xf32, #tpu.memory_space<vmem>>
        %dma_wait3A_222 = tpu.memref_squeeze %dma_wait3A_221 : memref<1x256x64xf32, #tpu.memory_space<vmem>> -> memref<256x64xf32, #tpu.memory_space<vmem>>
        %dma_wait3A_223 = arith.constant 0 : i32
        %dma_wait3A_224 = tpu.memref_slice %arg4[%add3A_217, %dma_wait3A_223] : memref<819200x64xf32, #tpu.memory_space<hbm>> -> memref<256x64xf32, #tpu.memory_space<hbm>>
        %dma_wait3A_225 = arith.constant 0 : i32
        %dma_wait3A_226 = tpu.memref_slice %arg4[%add3A_217, %dma_wait3A_225] : memref<819200x64xf32, #tpu.memory_space<hbm>> -> memref<256x64xf32, #tpu.memory_space<hbm>>
        %dma_wait3A_227 = arith.constant 0 : i32
        %dma_wait3A_228 = arith.constant 0 : i32
        %dma_wait3A_229 = tpu.memref_slice %arg7[%dma_wait3A_218, %dma_wait3A_227, %dma_wait3A_228] : memref<2x256x64xf32, #tpu.memory_space<vmem>> -> memref<1x256x64xf32, #tpu.memory_space<vmem>>
        %dma_wait3A_230 = tpu.memref_squeeze %dma_wait3A_229 : memref<1x256x64xf32, #tpu.memory_space<vmem>> -> memref<256x64xf32, #tpu.memory_space<vmem>>
        tpu.wait_dma2 semaphore(%arg9 : memref<!tpu.dma_semaphore, #tpu.memory_space<semaphore_mem>>) src(%dma_wait3A_230 : memref<256x64xf32, #tpu.memory_space<vmem>>) dst(%dma_wait3A_226 : memref<256x64xf32, #tpu.memory_space<hbm>>)
      } else {
      }
      %scan3A_120 = arith.constant 0 : i32
      %scan3A_121 = arith.constant 32 : i32
      %scan3A_122 = arith.addi %scan3A_120, %scan3A_121 : i32
      %scan3A_123 = arith.constant 1 : i32
      scf.for %scan3A_214 = %scan3A_120 to %scan3A_122 step %scan3A_123  : i32 {
        %mul3A_215 = arith.constant 8 : i32
        %mul3A_216 = arith.muli %scan3A_214, %mul3A_215 : i32
        %add3A_217 = arith.constant 0 : i32
        %add3A_218 = arith.addi %mul3A_216, %add3A_217 : i32
        %get3A = arith.constant 0 : i32
        %get3A_219 = arith.index_cast %get3A : i32 to index
        %get3A_220 = arith.index_cast %add3A_218 : i32 to index
        %get3A_221 = arith.constant 0 : index
        %get3A_222 = tpu.vector_load %arg6[%get3A_219, %get3A_220, %get3A_221] {strides = array<i32>} : memref<2x256x64xf32, #tpu.memory_space<vmem>>, vector<1x1x16xf32>,
        %get3A_223 = vector.shape_cast %get3A_222 : vector<1x1x16xf32> to vector<16xf32>
        %mul3A_224 = arith.constant 8.000000e+00 : f32
        %mul3A_225 = vector.broadcast %mul3A_224 : f32 to vector<16xf32>
        %mul3A_226 = arith.mulf %get3A_223, %mul3A_225 : vector<16xf32>
        %swap3A = arith.constant 0 : i32
        %swap3A_227 = arith.index_cast %swap3A : i32 to index
        %swap3A_228 = arith.index_cast %add3A_218 : i32 to index
        %swap3A_229 = arith.constant 0 : index
        %swap3A_230 = tpu.vector_load %arg7[%swap3A_227, %swap3A_228, %swap3A_229] {strides = array<i32>} : memref<2x256x64xf32, #tpu.memory_space<vmem>>, vector<1x1x16xf32>,
        %swap3A_231 = vector.shape_cast %swap3A_230 : vector<1x1x16xf32> to vector<16xf32>
        %swap3A_232 = vector.shape_cast %mul3A_226 : vector<16xf32> to vector<1x1x16xf32>
        tpu.vector_store %arg7[%swap3A_227, %swap3A_228, %swap3A_229], %swap3A_232 {strides = array<i32>} : memref<2x256x64xf32, #tpu.memory_space<vmem>>, vector<1x1x16xf32>,
        %get3A_233 = arith.constant 0 : i32
        %get3A_234 = arith.index_cast %get3A_233 : i32 to index
        %get3A_235 = arith.index_cast %add3A_218 : i32 to index
        %get3A_236 = arith.constant 16 : index
        %get3A_237 = tpu.vector_load %arg6[%get3A_234, %get3A_235, %get3A_236] {strides = array<i32>} : memref<2x256x64xf32, #tpu.memory_space<vmem>>, vector<1x1x16xf32>,
        %get3A_238 = vector.shape_cast %get3A_237 : vector<1x1x16xf32> to vector<16xf32>
        %mul3A_239 = arith.constant 8.000000e+00 : f32
        %mul3A_240 = vector.broadcast %mul3A_239 : f32 to vector<16xf32>
        %mul3A_241 = arith.mulf %get3A_238, %mul3A_240 : vector<16xf32>
        %swap3A_242 = arith.constant 0 : i32
        %swap3A_243 = arith.index_cast %swap3A_242 : i32 to index
        %swap3A_244 = arith.index_cast %add3A_218 : i32 to index
        %swap3A_245 = arith.constant 16 : index
        %swap3A_246 = tpu.vector_load %arg7[%swap3A_243, %swap3A_244, %swap3A_245] {strides = array<i32>} : memref<2x256x64xf32, #tpu.memory_space<vmem>>, vector<1x1x16xf32>,
        %swap3A_247 = vector.shape_cast %swap3A_246 : vector<1x1x16xf32> to vector<16xf32>
        %swap3A_248 = vector.shape_cast %mul3A_241 : vector<16xf32> to vector<1x1x16xf32>
        tpu.vector_store %arg7[%swap3A_243, %swap3A_244, %swap3A_245], %swap3A_248 {strides = array<i32>} : memref<2x256x64xf32, #tpu.memory_space<vmem>>, vector<1x1x16xf32>,
        %get3A_249 = arith.constant 0 : i32
        %get3A_250 = arith.index_cast %get3A_249 : i32 to index
        %get3A_251 = arith.index_cast %add3A_218 : i32 to index
        %get3A_252 = arith.constant 32 : index
        %get3A_253 = tpu.vector_load %arg6[%get3A_250, %get3A_251, %get3A_252] {strides = array<i32>} : memref<2x256x64xf32, #tpu.memory_space<vmem>>, vector<1x1x16xf32>,
        %get3A_254 = vector.shape_cast %get3A_253 : vector<1x1x16xf32> to vector<16xf32>
        %mul3A_255 = arith.constant 8.000000e+00 : f32
        %mul3A_256 = vector.broadcast %mul3A_255 : f32 to vector<16xf32>
        %mul3A_257 = arith.mulf %get3A_254, %mul3A_256 : vector<16xf32>
        %swap3A_258 = arith.constant 0 : i32
        %swap3A_259 = arith.index_cast %swap3A_258 : i32 to index
        %swap3A_260 = arith.index_cast %add3A_218 : i32 to index
        %swap3A_261 = arith.constant 32 : index
        %swap3A_262 = tpu.vector_load %arg7[%swap3A_259, %swap3A_260, %swap3A_261] {strides = array<i32>} : memref<2x256x64xf32, #tpu.memory_space<vmem>>, vector<1x1x16xf32>,
        %swap3A_263 = vector.shape_cast %swap3A_262 : vector<1x1x16xf32> to vector<16xf32>
        %swap3A_264 = vector.shape_cast %mul3A_257 : vector<16xf32> to vector<1x1x16xf32>
        tpu.vector_store %arg7[%swap3A_259, %swap3A_260, %swap3A_261], %swap3A_264 {strides = array<i32>} : memref<2x256x64xf32, #tpu.memory_space<vmem>>, vector<1x1x16xf32>,
        %get3A_265 = arith.constant 0 : i32
        %get3A_266 = arith.index_cast %get3A_265 : i32 to index
        %get3A_267 = arith.index_cast %add3A_218 : i32 to index
        %get3A_268 = arith.constant 48 : index
        %get3A_269 = tpu.vector_load %arg6[%get3A_266, %get3A_267, %get3A_268] {strides = array<i32>} : memref<2x256x64xf32, #tpu.memory_space<vmem>>, vector<1x1x16xf32>,
        %get3A_270 = vector.shape_cast %get3A_269 : vector<1x1x16xf32> to vector<16xf32>
        %mul3A_271 = arith.constant 8.000000e+00 : f32
        %mul3A_272 = vector.broadcast %mul3A_271 : f32 to vector<16xf32>
        %mul3A_273 = arith.mulf %get3A_270, %mul3A_272 : vector<16xf32>
        %swap3A_274 = arith.constant 0 : i32
        %swap3A_275 = arith.index_cast %swap3A_274 : i32 to index
        %swap3A_276 = arith.index_cast %add3A_218 : i32 to index
        %swap3A_277 = arith.constant 48 : index
        %swap3A_278 = tpu.vector_load %arg7[%swap3A_275, %swap3A_276, %swap3A_277] {strides = array<i32>} : memref<2x256x64xf32, #tpu.memory_space<vmem>>, vector<1x1x16xf32>,
        %swap3A_279 = vector.shape_cast %swap3A_278 : vector<1x1x16xf32> to vector<16xf32>
        %swap3A_280 = vector.shape_cast %mul3A_273 : vector<16xf32> to vector<1x1x16xf32>
        tpu.vector_store %arg7[%swap3A_275, %swap3A_276, %swap3A_277], %swap3A_280 {strides = array<i32>} : memref<2x256x64xf32, #tpu.memory_space<vmem>>, vector<1x1x16xf32>,
        %mul3A_281 = arith.constant 8 : i32
        %mul3A_282 = arith.muli %scan3A_214, %mul3A_281 : i32
        %add3A_283 = arith.constant 1 : i32
        %add3A_284 = arith.addi %mul3A_282, %add3A_283 : i32
        %get3A_285 = arith.constant 0 : i32
        %get3A_286 = arith.index_cast %get3A_285 : i32 to index
        %get3A_287 = arith.index_cast %add3A_284 : i32 to index
        %get3A_288 = arith.constant 0 : index
        %get3A_289 = tpu.vector_load %arg6[%get3A_286, %get3A_287, %get3A_288] {strides = array<i32>} : memref<2x256x64xf32, #tpu.memory_space<vmem>>, vector<1x1x16xf32>,
        %get3A_290 = vector.shape_cast %get3A_289 : vector<1x1x16xf32> to vector<16xf32>
        %mul3A_291 = arith.constant 8.000000e+00 : f32
        %mul3A_292 = vector.broadcast %mul3A_291 : f32 to vector<16xf32>
        %mul3A_293 = arith.mulf %get3A_290, %mul3A_292 : vector<16xf32>
        %swap3A_294 = arith.constant 0 : i32
        %swap3A_295 = arith.index_cast %swap3A_294 : i32 to index
        %swap3A_296 = arith.index_cast %add3A_284 : i32 to index
        %swap3A_297 = arith.constant 0 : index
        %swap3A_298 = tpu.vector_load %arg7[%swap3A_295, %swap3A_296, %swap3A_297] {strides = array<i32>} : memref<2x256x64xf32, #tpu.memory_space<vmem>>, vector<1x1x16xf32>,
        %swap3A_299 = vector.shape_cast %swap3A_298 : vector<1x1x16xf32> to vector<16xf32>
        %swap3A_300 = vector.shape_cast %mul3A_293 : vector<16xf32> to vector<1x1x16xf32>
        tpu.vector_store %arg7[%swap3A_295, %swap3A_296, %swap3A_297], %swap3A_300 {strides = array<i32>} : memref<2x256x64xf32, #tpu.memory_space<vmem>>, vector<1x1x16xf32>,
        %get3A_301 = arith.constant 0 : i32
        %get3A_302 = arith.index_cast %get3A_301 : i32 to index
        %get3A_303 = arith.index_cast %add3A_284 : i32 to index
        %get3A_304 = arith.constant 16 : index
        %get3A_305 = tpu.vector_load %arg6[%get3A_302, %get3A_303, %get3A_304] {strides = array<i32>} : memref<2x256x64xf32, #tpu.memory_space<vmem>>, vector<1x1x16xf32>,
        %get3A_306 = vector.shape_cast %get3A_305 : vector<1x1x16xf32> to vector<16xf32>
        %mul3A_307 = arith.constant 8.000000e+00 : f32
        %mul3A_308 = vector.broadcast %mul3A_307 : f32 to vector<16xf32>
        %mul3A_309 = arith.mulf %get3A_306, %mul3A_308 : vector<16xf32>
        %swap3A_310 = arith.constant 0 : i32
        %swap3A_311 = arith.index_cast %swap3A_310 : i32 to index
        %swap3A_312 = arith.index_cast %add3A_284 : i32 to index
        %swap3A_313 = arith.constant 16 : index
        %swap3A_314 = tpu.vector_load %arg7[%swap3A_311, %swap3A_312, %swap3A_313] {strides = array<i32>} : memref<2x256x64xf32, #tpu.memory_space<vmem>>, vector<1x1x16xf32>,
        %swap3A_315 = vector.shape_cast %swap3A_314 : vector<1x1x16xf32> to vector<16xf32>
        %swap3A_316 = vector.shape_cast %mul3A_309 : vector<16xf32> to vector<1x1x16xf32>
        tpu.vector_store %arg7[%swap3A_311, %swap3A_312, %swap3A_313], %swap3A_316 {strides = array<i32>} : memref<2x256x64xf32, #tpu.memory_space<vmem>>, vector<1x1x16xf32>,
        %get3A_317 = arith.constant 0 : i32
        %get3A_318 = arith.index_cast %get3A_317 : i32 to index
        %get3A_319 = arith.index_cast %add3A_284 : i32 to index
        %get3A_320 = arith.constant 32 : index
        %get3A_321 = tpu.vector_load %arg6[%get3A_318, %get3A_319, %get3A_320] {strides = array<i32>} : memref<2x256x64xf32, #tpu.memory_space<vmem>>, vector<1x1x16xf32>,
        %get3A_322 = vector.shape_cast %get3A_321 : vector<1x1x16xf32> to vector<16xf32>
        %mul3A_323 = arith.constant 8.000000e+00 : f32
        %mul3A_324 = vector.broadcast %mul3A_323 : f32 to vector<16xf32>
        %mul3A_325 = arith.mulf %get3A_322, %mul3A_324 : vector<16xf32>
        %swap3A_326 = arith.constant 0 : i32
        %swap3A_327 = arith.index_cast %swap3A_326 : i32 to index
        %swap3A_328 = arith.index_cast %add3A_284 : i32 to index
        %swap3A_329 = arith.constant 32 : index
        %swap3A_330 = tpu.vector_load %arg7[%swap3A_327, %swap3A_328, %swap3A_329] {strides = array<i32>} : memref<2x256x64xf32, #tpu.memory_space<vmem>>, vector<1x1x16xf32>,
        %swap3A_331 = vector.shape_cast %swap3A_330 : vector<1x1x16xf32> to vector<16xf32>
        %swap3A_332 = vector.shape_cast %mul3A_325 : vector<16xf32> to vector<1x1x16xf32>
        tpu.vector_store %arg7[%swap3A_327, %swap3A_328, %swap3A_329], %swap3A_332 {strides = array<i32>} : memref<2x256x64xf32, #tpu.memory_space<vmem>>, vector<1x1x16xf32>,
        %get3A_333 = arith.constant 0 : i32
        %get3A_334 = arith.index_cast %get3A_333 : i32 to index
        %get3A_335 = arith.index_cast %add3A_284 : i32 to index
        %get3A_336 = arith.constant 48 : index
        %get3A_337 = tpu.vector_load %arg6[%get3A_334, %get3A_335, %get3A_336] {strides = array<i32>} : memref<2x256x64xf32, #tpu.memory_space<vmem>>, vector<1x1x16xf32>,
        %get3A_338 = vector.shape_cast %get3A_337 : vector<1x1x16xf32> to vector<16xf32>
        %mul3A_339 = arith.constant 8.000000e+00 : f32
        %mul3A_340 = vector.broadcast %mul3A_339 : f32 to vector<16xf32>
        %mul3A_341 = arith.mulf %get3A_338, %mul3A_340 : vector<16xf32>
        %swap3A_342 = arith.constant 0 : i32
        %swap3A_343 = arith.index_cast %swap3A_342 : i32 to index
        %swap3A_344 = arith.index_cast %add3A_284 : i32 to index
        %swap3A_345 = arith.constant 48 : index
        %swap3A_346 = tpu.vector_load %arg7[%swap3A_343, %swap3A_344, %swap3A_345] {strides = array<i32>} : memref<2x256x64xf32, #tpu.memory_space<vmem>>, vector<1x1x16xf32>,
        %swap3A_347 = vector.shape_cast %swap3A_346 : vector<1x1x16xf32> to vector<16xf32>
        %swap3A_348 = vector.shape_cast %mul3A_341 : vector<16xf32> to vector<1x1x16xf32>
        tpu.vector_store %arg7[%swap3A_343, %swap3A_344, %swap3A_345], %swap3A_348 {strides = array<i32>} : memref<2x256x64xf32, #tpu.memory_space<vmem>>, vector<1x1x16xf32>,
        %mul3A_349 = arith.constant 8 : i32
        %mul3A_350 = arith.muli %scan3A_214, %mul3A_349 : i32
        %add3A_351 = arith.constant 2 : i32
        %add3A_352 = arith.addi %mul3A_350, %add3A_351 : i32
        %get3A_353 = arith.constant 0 : i32
        %get3A_354 = arith.index_cast %get3A_353 : i32 to index
        %get3A_355 = arith.index_cast %add3A_352 : i32 to index
        %get3A_356 = arith.constant 0 : index
        %get3A_357 = tpu.vector_load %arg6[%get3A_354, %get3A_355, %get3A_356] {strides = array<i32>} : memref<2x256x64xf32, #tpu.memory_space<vmem>>, vector<1x1x16xf32>,
        %get3A_358 = vector.shape_cast %get3A_357 : vector<1x1x16xf32> to vector<16xf32>
        %mul3A_359 = arith.constant 8.000000e+00 : f32
        %mul3A_360 = vector.broadcast %mul3A_359 : f32 to vector<16xf32>
        %mul3A_361 = arith.mulf %get3A_358, %mul3A_360 : vector<16xf32>
        %swap3A_362 = arith.constant 0 : i32
        %swap3A_363 = arith.index_cast %swap3A_362 : i32 to index
        %swap3A_364 = arith.index_cast %add3A_352 : i32 to index
        %swap3A_365 = arith.constant 0 : index
        %swap3A_366 = tpu.vector_load %arg7[%swap3A_363, %swap3A_364, %swap3A_365] {strides = array<i32>} : memref<2x256x64xf32, #tpu.memory_space<vmem>>, vector<1x1x16xf32>,
        %swap3A_367 = vector.shape_cast %swap3A_366 : vector<1x1x16xf32> to vector<16xf32>
        %swap3A_368 = vector.shape_cast %mul3A_361 : vector<16xf32> to vector<1x1x16xf32>
        tpu.vector_store %arg7[%swap3A_363, %swap3A_364, %swap3A_365], %swap3A_368 {strides = array<i32>} : memref<2x256x64xf32, #tpu.memory_space<vmem>>, vector<1x1x16xf32>,
        %get3A_369 = arith.constant 0 : i32
        %get3A_370 = arith.index_cast %get3A_369 : i32 to index
        %get3A_371 = arith.index_cast %add3A_352 : i32 to index
        %get3A_372 = arith.constant 16 : index
        %get3A_373 = tpu.vector_load %arg6[%get3A_370, %get3A_371, %get3A_372] {strides = array<i32>} : memref<2x256x64xf32, #tpu.memory_space<vmem>>, vector<1x1x16xf32>,
        %get3A_374 = vector.shape_cast %get3A_373 : vector<1x1x16xf32> to vector<16xf32>
        %mul3A_375 = arith.constant 8.000000e+00 : f32
        %mul3A_376 = vector.broadcast %mul3A_375 : f32 to vector<16xf32>
        %mul3A_377 = arith.mulf %get3A_374, %mul3A_376 : vector<16xf32>
        %swap3A_378 = arith.constant 0 : i32
        %swap3A_379 = arith.index_cast %swap3A_378 : i32 to index
        %swap3A_380 = arith.index_cast %add3A_352 : i32 to index
        %swap3A_381 = arith.constant 16 : index
        %swap3A_382 = tpu.vector_load %arg7[%swap3A_379, %swap3A_380, %swap3A_381] {strides = array<i32>} : memref<2x256x64xf32, #tpu.memory_space<vmem>>, vector<1x1x16xf32>,
        %swap3A_383 = vector.shape_cast %swap3A_382 : vector<1x1x16xf32> to vector<16xf32>
        %swap3A_384 = vector.shape_cast %mul3A_377 : vector<16xf32> to vector<1x1x16xf32>
        tpu.vector_store %arg7[%swap3A_379, %swap3A_380, %swap3A_381], %swap3A_384 {strides = array<i32>} : memref<2x256x64xf32, #tpu.memory_space<vmem>>, vector<1x1x16xf32>,
        %get3A_385 = arith.constant 0 : i32
        %get3A_386 = arith.index_cast %get3A_385 : i32 to index
        %get3A_387 = arith.index_cast %add3A_352 : i32 to index
        %get3A_388 = arith.constant 32 : index
        %get3A_389 = tpu.vector_load %arg6[%get3A_386, %get3A_387, %get3A_388] {strides = array<i32>} : memref<2x256x64xf32, #tpu.memory_space<vmem>>, vector<1x1x16xf32>,
        %get3A_390 = vector.shape_cast %get3A_389 : vector<1x1x16xf32> to vector<16xf32>
        %mul3A_391 = arith.constant 8.000000e+00 : f32
        %mul3A_392 = vector.broadcast %mul3A_391 : f32 to vector<16xf32>
        %mul3A_393 = arith.mulf %get3A_390, %mul3A_392 : vector<16xf32>
        %swap3A_394 = arith.constant 0 : i32
        %swap3A_395 = arith.index_cast %swap3A_394 : i32 to index
        %swap3A_396 = arith.index_cast %add3A_352 : i32 to index
        %swap3A_397 = arith.constant 32 : index
        %swap3A_398 = tpu.vector_load %arg7[%swap3A_395, %swap3A_396, %swap3A_397] {strides = array<i32>} : memref<2x256x64xf32, #tpu.memory_space<vmem>>, vector<1x1x16xf32>,
        %swap3A_399 = vector.shape_cast %swap3A_398 : vector<1x1x16xf32> to vector<16xf32>
        %swap3A_400 = vector.shape_cast %mul3A_393 : vector<16xf32> to vector<1x1x16xf32>
        tpu.vector_store %arg7[%swap3A_395, %swap3A_396, %swap3A_397], %swap3A_400 {strides = array<i32>} : memref<2x256x64xf32, #tpu.memory_space<vmem>>, vector<1x1x16xf32>,
        %get3A_401 = arith.constant 0 : i32
        %get3A_402 = arith.index_cast %get3A_401 : i32 to index
        %get3A_403 = arith.index_cast %add3A_352 : i32 to index
        %get3A_404 = arith.constant 48 : index
        %get3A_405 = tpu.vector_load %arg6[%get3A_402, %get3A_403, %get3A_404] {strides = array<i32>} : memref<2x256x64xf32, #tpu.memory_space<vmem>>, vector<1x1x16xf32>,
        %get3A_406 = vector.shape_cast %get3A_405 : vector<1x1x16xf32> to vector<16xf32>
        %mul3A_407 = arith.constant 8.000000e+00 : f32
        %mul3A_408 = vector.broadcast %mul3A_407 : f32 to vector<16xf32>
        %mul3A_409 = arith.mulf %get3A_406, %mul3A_408 : vector<16xf32>
        %swap3A_410 = arith.constant 0 : i32
        %swap3A_411 = arith.index_cast %swap3A_410 : i32 to index
        %swap3A_412 = arith.index_cast %add3A_352 : i32 to index
        %swap3A_413 = arith.constant 48 : index
        %swap3A_414 = tpu.vector_load %arg7[%swap3A_411, %swap3A_412, %swap3A_413] {strides = array<i32>} : memref<2x256x64xf32, #tpu.memory_space<vmem>>, vector<1x1x16xf32>,
        %swap3A_415 = vector.shape_cast %swap3A_414 : vector<1x1x16xf32> to vector<16xf32>
        %swap3A_416 = vector.shape_cast %mul3A_409 : vector<16xf32> to vector<1x1x16xf32>
        tpu.vector_store %arg7[%swap3A_411, %swap3A_412, %swap3A_413], %swap3A_416 {strides = array<i32>} : memref<2x256x64xf32, #tpu.memory_space<vmem>>, vector<1x1x16xf32>,
        %mul3A_417 = arith.constant 8 : i32
        %mul3A_418 = arith.muli %scan3A_214, %mul3A_417 : i32
        %add3A_419 = arith.constant 3 : i32
        %add3A_420 = arith.addi %mul3A_418, %add3A_419 : i32
        %get3A_421 = arith.constant 0 : i32
        %get3A_422 = arith.index_cast %get3A_421 : i32 to index
        %get3A_423 = arith.index_cast %add3A_420 : i32 to index
        %get3A_424 = arith.constant 0 : index
        %get3A_425 = tpu.vector_load %arg6[%get3A_422, %get3A_423, %get3A_424] {strides = array<i32>} : memref<2x256x64xf32, #tpu.memory_space<vmem>>, vector<1x1x16xf32>,
        %get3A_426 = vector.shape_cast %get3A_425 : vector<1x1x16xf32> to vector<16xf32>
        %mul3A_427 = arith.constant 8.000000e+00 : f32
        %mul3A_428 = vector.broadcast %mul3A_427 : f32 to vector<16xf32>
        %mul3A_429 = arith.mulf %get3A_426, %mul3A_428 : vector<16xf32>
        %swap3A_430 = arith.constant 0 : i32
        %swap3A_431 = arith.index_cast %swap3A_430 : i32 to index
        %swap3A_432 = arith.index_cast %add3A_420 : i32 to index
        %swap3A_433 = arith.constant 0 : index
        %swap3A_434 = tpu.vector_load %arg7[%swap3A_431, %swap3A_432, %swap3A_433] {strides = array<i32>} : memref<2x256x64xf32, #tpu.memory_space<vmem>>, vector<1x1x16xf32>,
        %swap3A_435 = vector.shape_cast %swap3A_434 : vector<1x1x16xf32> to vector<16xf32>
        %swap3A_436 = vector.shape_cast %mul3A_429 : vector<16xf32> to vector<1x1x16xf32>
        tpu.vector_store %arg7[%swap3A_431, %swap3A_432, %swap3A_433], %swap3A_436 {strides = array<i32>} : memref<2x256x64xf32, #tpu.memory_space<vmem>>, vector<1x1x16xf32>,
        %get3A_437 = arith.constant 0 : i32
        %get3A_438 = arith.index_cast %get3A_437 : i32 to index
        %get3A_439 = arith.index_cast %add3A_420 : i32 to index
        %get3A_440 = arith.constant 16 : index
        %get3A_441 = tpu.vector_load %arg6[%get3A_438, %get3A_439, %get3A_440] {strides = array<i32>} : memref<2x256x64xf32, #tpu.memory_space<vmem>>, vector<1x1x16xf32>,
        %get3A_442 = vector.shape_cast %get3A_441 : vector<1x1x16xf32> to vector<16xf32>
        %mul3A_443 = arith.constant 8.000000e+00 : f32
        %mul3A_444 = vector.broadcast %mul3A_443 : f32 to vector<16xf32>
        %mul3A_445 = arith.mulf %get3A_442, %mul3A_444 : vector<16xf32>
        %swap3A_446 = arith.constant 0 : i32
        %swap3A_447 = arith.index_cast %swap3A_446 : i32 to index
        %swap3A_448 = arith.index_cast %add3A_420 : i32 to index
        %swap3A_449 = arith.constant 16 : index
        %swap3A_450 = tpu.vector_load %arg7[%swap3A_447, %swap3A_448, %swap3A_449] {strides = array<i32>} : memref<2x256x64xf32, #tpu.memory_space<vmem>>, vector<1x1x16xf32>,
        %swap3A_451 = vector.shape_cast %swap3A_450 : vector<1x1x16xf32> to vector<16xf32>
        %swap3A_452 = vector.shape_cast %mul3A_445 : vector<16xf32> to vector<1x1x16xf32>
        tpu.vector_store %arg7[%swap3A_447, %swap3A_448, %swap3A_449], %swap3A_452 {strides = array<i32>} : memref<2x256x64xf32, #tpu.memory_space<vmem>>, vector<1x1x16xf32>,
        %get3A_453 = arith.constant 0 : i32
        %get3A_454 = arith.index_cast %get3A_453 : i32 to index
        %get3A_455 = arith.index_cast %add3A_420 : i32 to index
        %get3A_456 = arith.constant 32 : index
        %get3A_457 = tpu.vector_load %arg6[%get3A_454, %get3A_455, %get3A_456] {strides = array<i32>} : memref<2x256x64xf32, #tpu.memory_space<vmem>>, vector<1x1x16xf32>,
        %get3A_458 = vector.shape_cast %get3A_457 : vector<1x1x16xf32> to vector<16xf32>
        %mul3A_459 = arith.constant 8.000000e+00 : f32
        %mul3A_460 = vector.broadcast %mul3A_459 : f32 to vector<16xf32>
        %mul3A_461 = arith.mulf %get3A_458, %mul3A_460 : vector<16xf32>
        %swap3A_462 = arith.constant 0 : i32
        %swap3A_463 = arith.index_cast %swap3A_462 : i32 to index
        %swap3A_464 = arith.index_cast %add3A_420 : i32 to index
        %swap3A_465 = arith.constant 32 : index
        %swap3A_466 = tpu.vector_load %arg7[%swap3A_463, %swap3A_464, %swap3A_465] {strides = array<i32>} : memref<2x256x64xf32, #tpu.memory_space<vmem>>, vector<1x1x16xf32>,
        %swap3A_467 = vector.shape_cast %swap3A_466 : vector<1x1x16xf32> to vector<16xf32>
        %swap3A_468 = vector.shape_cast %mul3A_461 : vector<16xf32> to vector<1x1x16xf32>
        tpu.vector_store %arg7[%swap3A_463, %swap3A_464, %swap3A_465], %swap3A_468 {strides = array<i32>} : memref<2x256x64xf32, #tpu.memory_space<vmem>>, vector<1x1x16xf32>,
        %get3A_469 = arith.constant 0 : i32
        %get3A_470 = arith.index_cast %get3A_469 : i32 to index
        %get3A_471 = arith.index_cast %add3A_420 : i32 to index
        %get3A_472 = arith.constant 48 : index
        %get3A_473 = tpu.vector_load %arg6[%get3A_470, %get3A_471, %get3A_472] {strides = array<i32>} : memref<2x256x64xf32, #tpu.memory_space<vmem>>, vector<1x1x16xf32>,
        %get3A_474 = vector.shape_cast %get3A_473 : vector<1x1x16xf32> to vector<16xf32>
        %mul3A_475 = arith.constant 8.000000e+00 : f32
        %mul3A_476 = vector.broadcast %mul3A_475 : f32 to vector<16xf32>
        %mul3A_477 = arith.mulf %get3A_474, %mul3A_476 : vector<16xf32>
        %swap3A_478 = arith.constant 0 : i32
        %swap3A_479 = arith.index_cast %swap3A_478 : i32 to index
        %swap3A_480 = arith.index_cast %add3A_420 : i32 to index
        %swap3A_481 = arith.constant 48 : index
        %swap3A_482 = tpu.vector_load %arg7[%swap3A_479, %swap3A_480, %swap3A_481] {strides = array<i32>} : memref<2x256x64xf32, #tpu.memory_space<vmem>>, vector<1x1x16xf32>,
        %swap3A_483 = vector.shape_cast %swap3A_482 : vector<1x1x16xf32> to vector<16xf32>
        %swap3A_484 = vector.shape_cast %mul3A_477 : vector<16xf32> to vector<1x1x16xf32>
        tpu.vector_store %arg7[%swap3A_479, %swap3A_480, %swap3A_481], %swap3A_484 {strides = array<i32>} : memref<2x256x64xf32, #tpu.memory_space<vmem>>, vector<1x1x16xf32>,
        %mul3A_485 = arith.constant 8 : i32
        %mul3A_486 = arith.muli %scan3A_214, %mul3A_485 : i32
        %add3A_487 = arith.constant 4 : i32
        %add3A_488 = arith.addi %mul3A_486, %add3A_487 : i32
        %get3A_489 = arith.constant 0 : i32
        %get3A_490 = arith.index_cast %get3A_489 : i32 to index
        %get3A_491 = arith.index_cast %add3A_488 : i32 to index
        %get3A_492 = arith.constant 0 : index
        %get3A_493 = tpu.vector_load %arg6[%get3A_490, %get3A_491, %get3A_492] {strides = array<i32>} : memref<2x256x64xf32, #tpu.memory_space<vmem>>, vector<1x1x16xf32>,
        %get3A_494 = vector.shape_cast %get3A_493 : vector<1x1x16xf32> to vector<16xf32>
        %mul3A_495 = arith.constant 8.000000e+00 : f32
        %mul3A_496 = vector.broadcast %mul3A_495 : f32 to vector<16xf32>
        %mul3A_497 = arith.mulf %get3A_494, %mul3A_496 : vector<16xf32>
        %swap3A_498 = arith.constant 0 : i32
        %swap3A_499 = arith.index_cast %swap3A_498 : i32 to index
        %swap3A_500 = arith.index_cast %add3A_488 : i32 to index
        %swap3A_501 = arith.constant 0 : index
        %swap3A_502 = tpu.vector_load %arg7[%swap3A_499, %swap3A_500, %swap3A_501] {strides = array<i32>} : memref<2x256x64xf32, #tpu.memory_space<vmem>>, vector<1x1x16xf32>,
        %swap3A_503 = vector.shape_cast %swap3A_502 : vector<1x1x16xf32> to vector<16xf32>
        %swap3A_504 = vector.shape_cast %mul3A_497 : vector<16xf32> to vector<1x1x16xf32>
        tpu.vector_store %arg7[%swap3A_499, %swap3A_500, %swap3A_501], %swap3A_504 {strides = array<i32>} : memref<2x256x64xf32, #tpu.memory_space<vmem>>, vector<1x1x16xf32>,
        %get3A_505 = arith.constant 0 : i32
        %get3A_506 = arith.index_cast %get3A_505 : i32 to index
        %get3A_507 = arith.index_cast %add3A_488 : i32 to index
        %get3A_508 = arith.constant 16 : index
        %get3A_509 = tpu.vector_load %arg6[%get3A_506, %get3A_507, %get3A_508] {strides = array<i32>} : memref<2x256x64xf32, #tpu.memory_space<vmem>>, vector<1x1x16xf32>,
        %get3A_510 = vector.shape_cast %get3A_509 : vector<1x1x16xf32> to vector<16xf32>
        %mul3A_511 = arith.constant 8.000000e+00 : f32
        %mul3A_512 = vector.broadcast %mul3A_511 : f32 to vector<16xf32>
        %mul3A_513 = arith.mulf %get3A_510, %mul3A_512 : vector<16xf32>
        %swap3A_514 = arith.constant 0 : i32
        %swap3A_515 = arith.index_cast %swap3A_514 : i32 to index
        %swap3A_516 = arith.index_cast %add3A_488 : i32 to index
        %swap3A_517 = arith.constant 16 : index
        %swap3A_518 = tpu.vector_load %arg7[%swap3A_515, %swap3A_516, %swap3A_517] {strides = array<i32>} : memref<2x256x64xf32, #tpu.memory_space<vmem>>, vector<1x1x16xf32>,
        %swap3A_519 = vector.shape_cast %swap3A_518 : vector<1x1x16xf32> to vector<16xf32>
        %swap3A_520 = vector.shape_cast %mul3A_513 : vector<16xf32> to vector<1x1x16xf32>
        tpu.vector_store %arg7[%swap3A_515, %swap3A_516, %swap3A_517], %swap3A_520 {strides = array<i32>} : memref<2x256x64xf32, #tpu.memory_space<vmem>>, vector<1x1x16xf32>,
        %get3A_521 = arith.constant 0 : i32
        %get3A_522 = arith.index_cast %get3A_521 : i32 to index
        %get3A_523 = arith.index_cast %add3A_488 : i32 to index
        %get3A_524 = arith.constant 32 : index
        %get3A_525 = tpu.vector_load %arg6[%get3A_522, %get3A_523, %get3A_524] {strides = array<i32>} : memref<2x256x64xf32, #tpu.memory_space<vmem>>, vector<1x1x16xf32>,
        %get3A_526 = vector.shape_cast %get3A_525 : vector<1x1x16xf32> to vector<16xf32>
        %mul3A_527 = arith.constant 8.000000e+00 : f32
        %mul3A_528 = vector.broadcast %mul3A_527 : f32 to vector<16xf32>
        %mul3A_529 = arith.mulf %get3A_526, %mul3A_528 : vector<16xf32>
        %swap3A_530 = arith.constant 0 : i32
        %swap3A_531 = arith.index_cast %swap3A_530 : i32 to index
        %swap3A_532 = arith.index_cast %add3A_488 : i32 to index
        %swap3A_533 = arith.constant 32 : index
        %swap3A_534 = tpu.vector_load %arg7[%swap3A_531, %swap3A_532, %swap3A_533] {strides = array<i32>} : memref<2x256x64xf32, #tpu.memory_space<vmem>>, vector<1x1x16xf32>,
        %swap3A_535 = vector.shape_cast %swap3A_534 : vector<1x1x16xf32> to vector<16xf32>
        %swap3A_536 = vector.shape_cast %mul3A_529 : vector<16xf32> to vector<1x1x16xf32>
        tpu.vector_store %arg7[%swap3A_531, %swap3A_532, %swap3A_533], %swap3A_536 {strides = array<i32>} : memref<2x256x64xf32, #tpu.memory_space<vmem>>, vector<1x1x16xf32>,
        %get3A_537 = arith.constant 0 : i32
        %get3A_538 = arith.index_cast %get3A_537 : i32 to index
        %get3A_539 = arith.index_cast %add3A_488 : i32 to index
        %get3A_540 = arith.constant 48 : index
        %get3A_541 = tpu.vector_load %arg6[%get3A_538, %get3A_539, %get3A_540] {strides = array<i32>} : memref<2x256x64xf32, #tpu.memory_space<vmem>>, vector<1x1x16xf32>,
        %get3A_542 = vector.shape_cast %get3A_541 : vector<1x1x16xf32> to vector<16xf32>
        %mul3A_543 = arith.constant 8.000000e+00 : f32
        %mul3A_544 = vector.broadcast %mul3A_543 : f32 to vector<16xf32>
        %mul3A_545 = arith.mulf %get3A_542, %mul3A_544 : vector<16xf32>
        %swap3A_546 = arith.constant 0 : i32
        %swap3A_547 = arith.index_cast %swap3A_546 : i32 to index
        %swap3A_548 = arith.index_cast %add3A_488 : i32 to index
        %swap3A_549 = arith.constant 48 : index
        %swap3A_550 = tpu.vector_load %arg7[%swap3A_547, %swap3A_548, %swap3A_549] {strides = array<i32>} : memref<2x256x64xf32, #tpu.memory_space<vmem>>, vector<1x1x16xf32>,
        %swap3A_551 = vector.shape_cast %swap3A_550 : vector<1x1x16xf32> to vector<16xf32>
        %swap3A_552 = vector.shape_cast %mul3A_545 : vector<16xf32> to vector<1x1x16xf32>
        tpu.vector_store %arg7[%swap3A_547, %swap3A_548, %swap3A_549], %swap3A_552 {strides = array<i32>} : memref<2x256x64xf32, #tpu.memory_space<vmem>>, vector<1x1x16xf32>,
        %mul3A_553 = arith.constant 8 : i32
        %mul3A_554 = arith.muli %scan3A_214, %mul3A_553 : i32
        %add3A_555 = arith.constant 5 : i32
        %add3A_556 = arith.addi %mul3A_554, %add3A_555 : i32
        %get3A_557 = arith.constant 0 : i32
        %get3A_558 = arith.index_cast %get3A_557 : i32 to index
        %get3A_559 = arith.index_cast %add3A_556 : i32 to index
        %get3A_560 = arith.constant 0 : index
        %get3A_561 = tpu.vector_load %arg6[%get3A_558, %get3A_559, %get3A_560] {strides = array<i32>} : memref<2x256x64xf32, #tpu.memory_space<vmem>>, vector<1x1x16xf32>,
        %get3A_562 = vector.shape_cast %get3A_561 : vector<1x1x16xf32> to vector<16xf32>
        %mul3A_563 = arith.constant 8.000000e+00 : f32
        %mul3A_564 = vector.broadcast %mul3A_563 : f32 to vector<16xf32>
        %mul3A_565 = arith.mulf %get3A_562, %mul3A_564 : vector<16xf32>
        %swap3A_566 = arith.constant 0 : i32
        %swap3A_567 = arith.index_cast %swap3A_566 : i32 to index
        %swap3A_568 = arith.index_cast %add3A_556 : i32 to index
        %swap3A_569 = arith.constant 0 : index
        %swap3A_570 = tpu.vector_load %arg7[%swap3A_567, %swap3A_568, %swap3A_569] {strides = array<i32>} : memref<2x256x64xf32, #tpu.memory_space<vmem>>, vector<1x1x16xf32>,
        %swap3A_571 = vector.shape_cast %swap3A_570 : vector<1x1x16xf32> to vector<16xf32>
        %swap3A_572 = vector.shape_cast %mul3A_565 : vector<16xf32> to vector<1x1x16xf32>
        tpu.vector_store %arg7[%swap3A_567, %swap3A_568, %swap3A_569], %swap3A_572 {strides = array<i32>} : memref<2x256x64xf32, #tpu.memory_space<vmem>>, vector<1x1x16xf32>,
        %get3A_573 = arith.constant 0 : i32
        %get3A_574 = arith.index_cast %get3A_573 : i32 to index
        %get3A_575 = arith.index_cast %add3A_556 : i32 to index
        %get3A_576 = arith.constant 16 : index
        %get3A_577 = tpu.vector_load %arg6[%get3A_574, %get3A_575, %get3A_576] {strides = array<i32>} : memref<2x256x64xf32, #tpu.memory_space<vmem>>, vector<1x1x16xf32>,
        %get3A_578 = vector.shape_cast %get3A_577 : vector<1x1x16xf32> to vector<16xf32>
        %mul3A_579 = arith.constant 8.000000e+00 : f32
        %mul3A_580 = vector.broadcast %mul3A_579 : f32 to vector<16xf32>
        %mul3A_581 = arith.mulf %get3A_578, %mul3A_580 : vector<16xf32>
        %swap3A_582 = arith.constant 0 : i32
        %swap3A_583 = arith.index_cast %swap3A_582 : i32 to index
        %swap3A_584 = arith.index_cast %add3A_556 : i32 to index
        %swap3A_585 = arith.constant 16 : index
        %swap3A_586 = tpu.vector_load %arg7[%swap3A_583, %swap3A_584, %swap3A_585] {strides = array<i32>} : memref<2x256x64xf32, #tpu.memory_space<vmem>>, vector<1x1x16xf32>,
        %swap3A_587 = vector.shape_cast %swap3A_586 : vector<1x1x16xf32> to vector<16xf32>
        %swap3A_588 = vector.shape_cast %mul3A_581 : vector<16xf32> to vector<1x1x16xf32>
        tpu.vector_store %arg7[%swap3A_583, %swap3A_584, %swap3A_585], %swap3A_588 {strides = array<i32>} : memref<2x256x64xf32, #tpu.memory_space<vmem>>, vector<1x1x16xf32>,
        %get3A_589 = arith.constant 0 : i32
        %get3A_590 = arith.index_cast %get3A_589 : i32 to index
        %get3A_591 = arith.index_cast %add3A_556 : i32 to index
        %get3A_592 = arith.constant 32 : index
        %get3A_593 = tpu.vector_load %arg6[%get3A_590, %get3A_591, %get3A_592] {strides = array<i32>} : memref<2x256x64xf32, #tpu.memory_space<vmem>>, vector<1x1x16xf32>,
        %get3A_594 = vector.shape_cast %get3A_593 : vector<1x1x16xf32> to vector<16xf32>
        %mul3A_595 = arith.constant 8.000000e+00 : f32
        %mul3A_596 = vector.broadcast %mul3A_595 : f32 to vector<16xf32>
        %mul3A_597 = arith.mulf %get3A_594, %mul3A_596 : vector<16xf32>
        %swap3A_598 = arith.constant 0 : i32
        %swap3A_599 = arith.index_cast %swap3A_598 : i32 to index
        %swap3A_600 = arith.index_cast %add3A_556 : i32 to index
        %swap3A_601 = arith.constant 32 : index
        %swap3A_602 = tpu.vector_load %arg7[%swap3A_599, %swap3A_600, %swap3A_601] {strides = array<i32>} : memref<2x256x64xf32, #tpu.memory_space<vmem>>, vector<1x1x16xf32>,
        %swap3A_603 = vector.shape_cast %swap3A_602 : vector<1x1x16xf32> to vector<16xf32>
        %swap3A_604 = vector.shape_cast %mul3A_597 : vector<16xf32> to vector<1x1x16xf32>
        tpu.vector_store %arg7[%swap3A_599, %swap3A_600, %swap3A_601], %swap3A_604 {strides = array<i32>} : memref<2x256x64xf32, #tpu.memory_space<vmem>>, vector<1x1x16xf32>,
        %get3A_605 = arith.constant 0 : i32
        %get3A_606 = arith.index_cast %get3A_605 : i32 to index
        %get3A_607 = arith.index_cast %add3A_556 : i32 to index
        %get3A_608 = arith.constant 48 : index
        %get3A_609 = tpu.vector_load %arg6[%get3A_606, %get3A_607, %get3A_608] {strides = array<i32>} : memref<2x256x64xf32, #tpu.memory_space<vmem>>, vector<1x1x16xf32>,
        %get3A_610 = vector.shape_cast %get3A_609 : vector<1x1x16xf32> to vector<16xf32>
        %mul3A_611 = arith.constant 8.000000e+00 : f32
        %mul3A_612 = vector.broadcast %mul3A_611 : f32 to vector<16xf32>
        %mul3A_613 = arith.mulf %get3A_610, %mul3A_612 : vector<16xf32>
        %swap3A_614 = arith.constant 0 : i32
        %swap3A_615 = arith.index_cast %swap3A_614 : i32 to index
        %swap3A_616 = arith.index_cast %add3A_556 : i32 to index
        %swap3A_617 = arith.constant 48 : index
        %swap3A_618 = tpu.vector_load %arg7[%swap3A_615, %swap3A_616, %swap3A_617] {strides = array<i32>} : memref<2x256x64xf32, #tpu.memory_space<vmem>>, vector<1x1x16xf32>,
        %swap3A_619 = vector.shape_cast %swap3A_618 : vector<1x1x16xf32> to vector<16xf32>
        %swap3A_620 = vector.shape_cast %mul3A_613 : vector<16xf32> to vector<1x1x16xf32>
        tpu.vector_store %arg7[%swap3A_615, %swap3A_616, %swap3A_617], %swap3A_620 {strides = array<i32>} : memref<2x256x64xf32, #tpu.memory_space<vmem>>, vector<1x1x16xf32>,
        %mul3A_621 = arith.constant 8 : i32
        %mul3A_622 = arith.muli %scan3A_214, %mul3A_621 : i32
        %add3A_623 = arith.constant 6 : i32
        %add3A_624 = arith.addi %mul3A_622, %add3A_623 : i32
        %get3A_625 = arith.constant 0 : i32
        %get3A_626 = arith.index_cast %get3A_625 : i32 to index
        %get3A_627 = arith.index_cast %add3A_624 : i32 to index
        %get3A_628 = arith.constant 0 : index
        %get3A_629 = tpu.vector_load %arg6[%get3A_626, %get3A_627, %get3A_628] {strides = array<i32>} : memref<2x256x64xf32, #tpu.memory_space<vmem>>, vector<1x1x16xf32>,
        %get3A_630 = vector.shape_cast %get3A_629 : vector<1x1x16xf32> to vector<16xf32>
        %mul3A_631 = arith.constant 8.000000e+00 : f32
        %mul3A_632 = vector.broadcast %mul3A_631 : f32 to vector<16xf32>
        %mul3A_633 = arith.mulf %get3A_630, %mul3A_632 : vector<16xf32>
        %swap3A_634 = arith.constant 0 : i32
        %swap3A_635 = arith.index_cast %swap3A_634 : i32 to index
        %swap3A_636 = arith.index_cast %add3A_624 : i32 to index
        %swap3A_637 = arith.constant 0 : index
        %swap3A_638 = tpu.vector_load %arg7[%swap3A_635, %swap3A_636, %swap3A_637] {strides = array<i32>} : memref<2x256x64xf32, #tpu.memory_space<vmem>>, vector<1x1x16xf32>,
        %swap3A_639 = vector.shape_cast %swap3A_638 : vector<1x1x16xf32> to vector<16xf32>
        %swap3A_640 = vector.shape_cast %mul3A_633 : vector<16xf32> to vector<1x1x16xf32>
        tpu.vector_store %arg7[%swap3A_635, %swap3A_636, %swap3A_637], %swap3A_640 {strides = array<i32>} : memref<2x256x64xf32, #tpu.memory_space<vmem>>, vector<1x1x16xf32>,
        %get3A_641 = arith.constant 0 : i32
        %get3A_642 = arith.index_cast %get3A_641 : i32 to index
        %get3A_643 = arith.index_cast %add3A_624 : i32 to index
        %get3A_644 = arith.constant 16 : index
        %get3A_645 = tpu.vector_load %arg6[%get3A_642, %get3A_643, %get3A_644] {strides = array<i32>} : memref<2x256x64xf32, #tpu.memory_space<vmem>>, vector<1x1x16xf32>,
        %get3A_646 = vector.shape_cast %get3A_645 : vector<1x1x16xf32> to vector<16xf32>
        %mul3A_647 = arith.constant 8.000000e+00 : f32
        %mul3A_648 = vector.broadcast %mul3A_647 : f32 to vector<16xf32>
        %mul3A_649 = arith.mulf %get3A_646, %mul3A_648 : vector<16xf32>
        %swap3A_650 = arith.constant 0 : i32
        %swap3A_651 = arith.index_cast %swap3A_650 : i32 to index
        %swap3A_652 = arith.index_cast %add3A_624 : i32 to index
        %swap3A_653 = arith.constant 16 : index
        %swap3A_654 = tpu.vector_load %arg7[%swap3A_651, %swap3A_652, %swap3A_653] {strides = array<i32>} : memref<2x256x64xf32, #tpu.memory_space<vmem>>, vector<1x1x16xf32>,
        %swap3A_655 = vector.shape_cast %swap3A_654 : vector<1x1x16xf32> to vector<16xf32>
        %swap3A_656 = vector.shape_cast %mul3A_649 : vector<16xf32> to vector<1x1x16xf32>
        tpu.vector_store %arg7[%swap3A_651, %swap3A_652, %swap3A_653], %swap3A_656 {strides = array<i32>} : memref<2x256x64xf32, #tpu.memory_space<vmem>>, vector<1x1x16xf32>,
        %get3A_657 = arith.constant 0 : i32
        %get3A_658 = arith.index_cast %get3A_657 : i32 to index
        %get3A_659 = arith.index_cast %add3A_624 : i32 to index
        %get3A_660 = arith.constant 32 : index
        %get3A_661 = tpu.vector_load %arg6[%get3A_658, %get3A_659, %get3A_660] {strides = array<i32>} : memref<2x256x64xf32, #tpu.memory_space<vmem>>, vector<1x1x16xf32>,
        %get3A_662 = vector.shape_cast %get3A_661 : vector<1x1x16xf32> to vector<16xf32>
        %mul3A_663 = arith.constant 8.000000e+00 : f32
        %mul3A_664 = vector.broadcast %mul3A_663 : f32 to vector<16xf32>
        %mul3A_665 = arith.mulf %get3A_662, %mul3A_664 : vector<16xf32>
        %swap3A_666 = arith.constant 0 : i32
        %swap3A_667 = arith.index_cast %swap3A_666 : i32 to index
        %swap3A_668 = arith.index_cast %add3A_624 : i32 to index
        %swap3A_669 = arith.constant 32 : index
        %swap3A_670 = tpu.vector_load %arg7[%swap3A_667, %swap3A_668, %swap3A_669] {strides = array<i32>} : memref<2x256x64xf32, #tpu.memory_space<vmem>>, vector<1x1x16xf32>,
        %swap3A_671 = vector.shape_cast %swap3A_670 : vector<1x1x16xf32> to vector<16xf32>
        %swap3A_672 = vector.shape_cast %mul3A_665 : vector<16xf32> to vector<1x1x16xf32>
        tpu.vector_store %arg7[%swap3A_667, %swap3A_668, %swap3A_669], %swap3A_672 {strides = array<i32>} : memref<2x256x64xf32, #tpu.memory_space<vmem>>, vector<1x1x16xf32>,
        %get3A_673 = arith.constant 0 : i32
        %get3A_674 = arith.index_cast %get3A_673 : i32 to index
        %get3A_675 = arith.index_cast %add3A_624 : i32 to index
        %get3A_676 = arith.constant 48 : index
        %get3A_677 = tpu.vector_load %arg6[%get3A_674, %get3A_675, %get3A_676] {strides = array<i32>} : memref<2x256x64xf32, #tpu.memory_space<vmem>>, vector<1x1x16xf32>,
        %get3A_678 = vector.shape_cast %get3A_677 : vector<1x1x16xf32> to vector<16xf32>
        %mul3A_679 = arith.constant 8.000000e+00 : f32
        %mul3A_680 = vector.broadcast %mul3A_679 : f32 to vector<16xf32>
        %mul3A_681 = arith.mulf %get3A_678, %mul3A_680 : vector<16xf32>
        %swap3A_682 = arith.constant 0 : i32
        %swap3A_683 = arith.index_cast %swap3A_682 : i32 to index
        %swap3A_684 = arith.index_cast %add3A_624 : i32 to index
        %swap3A_685 = arith.constant 48 : index
        %swap3A_686 = tpu.vector_load %arg7[%swap3A_683, %swap3A_684, %swap3A_685] {strides = array<i32>} : memref<2x256x64xf32, #tpu.memory_space<vmem>>, vector<1x1x16xf32>,
        %swap3A_687 = vector.shape_cast %swap3A_686 : vector<1x1x16xf32> to vector<16xf32>
        %swap3A_688 = vector.shape_cast %mul3A_681 : vector<16xf32> to vector<1x1x16xf32>
        tpu.vector_store %arg7[%swap3A_683, %swap3A_684, %swap3A_685], %swap3A_688 {strides = array<i32>} : memref<2x256x64xf32, #tpu.memory_space<vmem>>, vector<1x1x16xf32>,
        %mul3A_689 = arith.constant 8 : i32
        %mul3A_690 = arith.muli %scan3A_214, %mul3A_689 : i32
        %add3A_691 = arith.constant 7 : i32
        %add3A_692 = arith.addi %mul3A_690, %add3A_691 : i32
        %get3A_693 = arith.constant 0 : i32
        %get3A_694 = arith.index_cast %get3A_693 : i32 to index
        %get3A_695 = arith.index_cast %add3A_692 : i32 to index
        %get3A_696 = arith.constant 0 : index
        %get3A_697 = tpu.vector_load %arg6[%get3A_694, %get3A_695, %get3A_696] {strides = array<i32>} : memref<2x256x64xf32, #tpu.memory_space<vmem>>, vector<1x1x16xf32>,
        %get3A_698 = vector.shape_cast %get3A_697 : vector<1x1x16xf32> to vector<16xf32>
        %mul3A_699 = arith.constant 8.000000e+00 : f32
        %mul3A_700 = vector.broadcast %mul3A_699 : f32 to vector<16xf32>
        %mul3A_701 = arith.mulf %get3A_698, %mul3A_700 : vector<16xf32>
        %swap3A_702 = arith.constant 0 : i32
        %swap3A_703 = arith.index_cast %swap3A_702 : i32 to index
        %swap3A_704 = arith.index_cast %add3A_692 : i32 to index
        %swap3A_705 = arith.constant 0 : index
        %swap3A_706 = tpu.vector_load %arg7[%swap3A_703, %swap3A_704, %swap3A_705] {strides = array<i32>} : memref<2x256x64xf32, #tpu.memory_space<vmem>>, vector<1x1x16xf32>,
        %swap3A_707 = vector.shape_cast %swap3A_706 : vector<1x1x16xf32> to vector<16xf32>
        %swap3A_708 = vector.shape_cast %mul3A_701 : vector<16xf32> to vector<1x1x16xf32>
        tpu.vector_store %arg7[%swap3A_703, %swap3A_704, %swap3A_705], %swap3A_708 {strides = array<i32>} : memref<2x256x64xf32, #tpu.memory_space<vmem>>, vector<1x1x16xf32>,
        %get3A_709 = arith.constant 0 : i32
        %get3A_710 = arith.index_cast %get3A_709 : i32 to index
        %get3A_711 = arith.index_cast %add3A_692 : i32 to index
        %get3A_712 = arith.constant 16 : index
        %get3A_713 = tpu.vector_load %arg6[%get3A_710, %get3A_711, %get3A_712] {strides = array<i32>} : memref<2x256x64xf32, #tpu.memory_space<vmem>>, vector<1x1x16xf32>,
        %get3A_714 = vector.shape_cast %get3A_713 : vector<1x1x16xf32> to vector<16xf32>
        %mul3A_715 = arith.constant 8.000000e+00 : f32
        %mul3A_716 = vector.broadcast %mul3A_715 : f32 to vector<16xf32>
        %mul3A_717 = arith.mulf %get3A_714, %mul3A_716 : vector<16xf32>
        %swap3A_718 = arith.constant 0 : i32
        %swap3A_719 = arith.index_cast %swap3A_718 : i32 to index
        %swap3A_720 = arith.index_cast %add3A_692 : i32 to index
        %swap3A_721 = arith.constant 16 : index
        %swap3A_722 = tpu.vector_load %arg7[%swap3A_719, %swap3A_720, %swap3A_721] {strides = array<i32>} : memref<2x256x64xf32, #tpu.memory_space<vmem>>, vector<1x1x16xf32>,
        %swap3A_723 = vector.shape_cast %swap3A_722 : vector<1x1x16xf32> to vector<16xf32>
        %swap3A_724 = vector.shape_cast %mul3A_717 : vector<16xf32> to vector<1x1x16xf32>
        tpu.vector_store %arg7[%swap3A_719, %swap3A_720, %swap3A_721], %swap3A_724 {strides = array<i32>} : memref<2x256x64xf32, #tpu.memory_space<vmem>>, vector<1x1x16xf32>,
        %get3A_725 = arith.constant 0 : i32
        %get3A_726 = arith.index_cast %get3A_725 : i32 to index
        %get3A_727 = arith.index_cast %add3A_692 : i32 to index
        %get3A_728 = arith.constant 32 : index
        %get3A_729 = tpu.vector_load %arg6[%get3A_726, %get3A_727, %get3A_728] {strides = array<i32>} : memref<2x256x64xf32, #tpu.memory_space<vmem>>, vector<1x1x16xf32>,
        %get3A_730 = vector.shape_cast %get3A_729 : vector<1x1x16xf32> to vector<16xf32>
        %mul3A_731 = arith.constant 8.000000e+00 : f32
        %mul3A_732 = vector.broadcast %mul3A_731 : f32 to vector<16xf32>
        %mul3A_733 = arith.mulf %get3A_730, %mul3A_732 : vector<16xf32>
        %swap3A_734 = arith.constant 0 : i32
        %swap3A_735 = arith.index_cast %swap3A_734 : i32 to index
        %swap3A_736 = arith.index_cast %add3A_692 : i32 to index
        %swap3A_737 = arith.constant 32 : index
        %swap3A_738 = tpu.vector_load %arg7[%swap3A_735, %swap3A_736, %swap3A_737] {strides = array<i32>} : memref<2x256x64xf32, #tpu.memory_space<vmem>>, vector<1x1x16xf32>,
        %swap3A_739 = vector.shape_cast %swap3A_738 : vector<1x1x16xf32> to vector<16xf32>
        %swap3A_740 = vector.shape_cast %mul3A_733 : vector<16xf32> to vector<1x1x16xf32>
        tpu.vector_store %arg7[%swap3A_735, %swap3A_736, %swap3A_737], %swap3A_740 {strides = array<i32>} : memref<2x256x64xf32, #tpu.memory_space<vmem>>, vector<1x1x16xf32>,
        %get3A_741 = arith.constant 0 : i32
        %get3A_742 = arith.index_cast %get3A_741 : i32 to index
        %get3A_743 = arith.index_cast %add3A_692 : i32 to index
        %get3A_744 = arith.constant 48 : index
        %get3A_745 = tpu.vector_load %arg6[%get3A_742, %get3A_743, %get3A_744] {strides = array<i32>} : memref<2x256x64xf32, #tpu.memory_space<vmem>>, vector<1x1x16xf32>,
        %get3A_746 = vector.shape_cast %get3A_745 : vector<1x1x16xf32> to vector<16xf32>
        %mul3A_747 = arith.constant 8.000000e+00 : f32
        %mul3A_748 = vector.broadcast %mul3A_747 : f32 to vector<16xf32>
        %mul3A_749 = arith.mulf %get3A_746, %mul3A_748 : vector<16xf32>
        %swap3A_750 = arith.constant 0 : i32
        %swap3A_751 = arith.index_cast %swap3A_750 : i32 to index
        %swap3A_752 = arith.index_cast %add3A_692 : i32 to index
        %swap3A_753 = arith.constant 48 : index
        %swap3A_754 = tpu.vector_load %arg7[%swap3A_751, %swap3A_752, %swap3A_753] {strides = array<i32>} : memref<2x256x64xf32, #tpu.memory_space<vmem>>, vector<1x1x16xf32>,
        %swap3A_755 = vector.shape_cast %swap3A_754 : vector<1x1x16xf32> to vector<16xf32>
        %swap3A_756 = vector.shape_cast %mul3A_749 : vector<16xf32> to vector<1x1x16xf32>
        tpu.vector_store %arg7[%swap3A_751, %swap3A_752, %swap3A_753], %swap3A_756 {strides = array<i32>} : memref<2x256x64xf32, #tpu.memory_space<vmem>>, vector<1x1x16xf32>,
      }
      %scan3A_124 = arith.constant 32 : i32
      %mul3A_125 = arith.constant 256 : i32
      %mul3A_126 = arith.muli %add3A_87, %mul3A_125 : i32
      %add3A_127 = arith.addi %mul3A_2, %mul3A_126 : i32
      %dma_start3A_128 = arith.constant 0 : i32
      %dma_start3A_129 = arith.constant 0 : i32
      %dma_start3A_130 = arith.constant 0 : i32
      %dma_start3A_131 = tpu.memref_slice %arg7[%dma_start3A_128, %dma_start3A_129, %dma_start3A_130] : memref<2x256x64xf32, #tpu.memory_space<vmem>> -> memref<1x256x64xf32, #tpu.memory_space<vmem>>
      %dma_start3A_132 = tpu.memref_squeeze %dma_start3A_131 : memref<1x256x64xf32, #tpu.memory_space<vmem>> -> memref<256x64xf32, #tpu.memory_space<vmem>>
      %dma_start3A_133 = arith.constant 0 : i32
      %dma_start3A_134 = tpu.memref_slice %arg4[%add3A_127, %dma_start3A_133] : memref<819200x64xf32, #tpu.memory_space<hbm>> -> memref<256x64xf32, #tpu.memory_space<hbm>>
      %dma_start3A_135 = arith.constant 0 : i32
      %dma_start3A_136 = tpu.memref_slice %arg4[%add3A_127, %dma_start3A_135] : memref<819200x64xf32, #tpu.memory_space<hbm>> -> memref<256x64xf32, #tpu.memory_space<hbm>>
      %dma_start3A_137 = arith.constant 0 : i32
      %dma_start3A_138 = arith.constant 0 : i32
      %dma_start3A_139 = tpu.memref_slice %arg7[%dma_start3A_128, %dma_start3A_137, %dma_start3A_138] : memref<2x256x64xf32, #tpu.memory_space<vmem>> -> memref<1x256x64xf32, #tpu.memory_space<vmem>>
      %dma_start3A_140 = tpu.memref_squeeze %dma_start3A_139 : memref<1x256x64xf32, #tpu.memory_space<vmem>> -> memref<256x64xf32, #tpu.memory_space<vmem>>
      tpu.enqueue_dma source(%dma_start3A_140 : memref<256x64xf32, #tpu.memory_space<vmem>>) target(%dma_start3A_136 : memref<256x64xf32, #tpu.memory_space<hbm>>) target_semaphore(%arg9 : memref<!tpu.dma_semaphore, #tpu.memory_space<semaphore_mem>>)
      %add3A_141 = arith.constant 2 : i32
      %add3A_142 = arith.addi %add3A_87, %add3A_141 : i32
      %lt3A = arith.constant 100 : i32
      %lt3A_143 = arith.cmpi slt, %add3A_142, %lt3A : i32
      %convert_element_type3A_144 = arith.extui %lt3A_143 : i1 to i32
      %cond3A_145 = arith.constant 0 : i32
      %cond3A_146 = arith.cmpi ne, %convert_element_type3A_144, %cond3A_145 : i32
      scf.if %cond3A_146 {
        %add3A_214 = arith.constant 2 : i32
        %add3A_215 = arith.addi %add3A_87, %add3A_214 : i32
        %mul3A_216 = arith.constant 2 : i32
        %mul3A_217 = arith.muli %add3A_215, %mul3A_216 : i32
        %add3A_218 = arith.constant 0 : i32
        %add3A_219 = arith.addi %mul3A_217, %add3A_218 : i32
        %mul3A_220 = arith.constant 2 : i32
        %mul3A_221 = arith.muli %add3A_215, %mul3A_220 : i32
        %add3A_222 = arith.constant 1 : i32
        %add3A_223 = arith.addi %mul3A_221, %add3A_222 : i32
        %dma_start3A_224 = arith.constant 0 : i32
        %dma_start3A_225 = arith.constant 0 : i32
        %dma_start3A_226 = arith.constant 0 : i32
        %dma_start3A_227 = tpu.memref_slice %arg6[%dma_start3A_224, %dma_start3A_225, %dma_start3A_226] : memref<2x256x64xf32, #tpu.memory_space<vmem>> -> memref<1x128x64xf32, #tpu.memory_space<vmem>>
        %dma_start3A_228 = tpu.memref_squeeze %dma_start3A_227 : memref<1x128x64xf32, #tpu.memory_space<vmem>> -> memref<128x64xf32, #tpu.memory_space<vmem>>
        %dma_start3A_229 = arith.constant 0 : i32
        %dma_start3A_230 = tpu.memref_slice %arg5[%add3A_219, %dma_start3A_229] : memref<200x128xi32, #tpu.memory_space<vmem>> -> memref<1x128xi32, #tpu.memory_space<vmem>>
        %dma_start3A_231 = tpu.memref_squeeze %dma_start3A_230 : memref<1x128xi32, #tpu.memory_space<vmem>> -> memref<128xi32, #tpu.memory_space<vmem>>
        %dma_start3A_232 = arith.constant 0 : i32
        %dma_start3A_233 = arith.constant 0 : i32
        %dma_start3A_234 = tpu.memref_slice %arg3[%dma_start3A_232, %dma_start3A_233] : memref<1000000x64xf32, #tpu.memory_space<hbm>> -> memref<1000000x64xf32, #tpu.memory_space<hbm>>
        tpu.enqueue_indirect_dma source(%dma_start3A_234 : memref<1000000x64xf32, #tpu.memory_space<hbm>>) target(%dma_start3A_228 : memref<128x64xf32, #tpu.memory_space<vmem>>) offsets(%dma_start3A_231 : memref<128xi32, #tpu.memory_space<vmem>>) semaphore(%arg8 : memref<!tpu.dma_semaphore, #tpu.memory_space<semaphore_mem>>)
        %dma_start3A_235 = arith.constant 0 : i32
        %dma_start3A_236 = arith.constant 128 : i32
        %dma_start3A_237 = arith.constant 0 : i32
        %dma_start3A_238 = tpu.memref_slice %arg6[%dma_start3A_235, %dma_start3A_236, %dma_start3A_237] : memref<2x256x64xf32, #tpu.memory_space<vmem>> -> memref<1x128x64xf32, #tpu.memory_space<vmem>>
        %dma_start3A_239 = tpu.memref_squeeze %dma_start3A_238 : memref<1x128x64xf32, #tpu.memory_space<vmem>> -> memref<128x64xf32, #tpu.memory_space<vmem>>
        %dma_start3A_240 = arith.constant 0 : i32
        %dma_start3A_241 = tpu.memref_slice %arg5[%add3A_223, %dma_start3A_240] : memref<200x128xi32, #tpu.memory_space<vmem>> -> memref<1x128xi32, #tpu.memory_space<vmem>>
        %dma_start3A_242 = tpu.memref_squeeze %dma_start3A_241 : memref<1x128xi32, #tpu.memory_space<vmem>> -> memref<128xi32, #tpu.memory_space<vmem>>
        %dma_start3A_243 = arith.constant 0 : i32
        %dma_start3A_244 = arith.constant 0 : i32
        %dma_start3A_245 = tpu.memref_slice %arg3[%dma_start3A_243, %dma_start3A_244] : memref<1000000x64xf32, #tpu.memory_space<hbm>> -> memref<1000000x64xf32, #tpu.memory_space<hbm>>
        tpu.enqueue_indirect_dma source(%dma_start3A_245 : memref<1000000x64xf32, #tpu.memory_space<hbm>>) target(%dma_start3A_239 : memref<128x64xf32, #tpu.memory_space<vmem>>) offsets(%dma_start3A_242 : memref<128xi32, #tpu.memory_space<vmem>>) semaphore(%arg8 : memref<!tpu.dma_semaphore, #tpu.memory_space<semaphore_mem>>)
      } else {
      }
      %mul3A_147 = arith.constant 2 : i32
      %mul3A_148 = arith.muli %mul3A_147, %scan3A_83 : i32
      %add3A_149 = arith.constant 1 : i32
      %add3A_150 = arith.addi %mul3A_148, %add3A_149 : i32
      %mul3A_151 = arith.constant 2 : i32
      %mul3A_152 = arith.muli %add3A_150, %mul3A_151 : i32
      %add3A_153 = arith.constant 0 : i32
      %add3A_154 = arith.addi %mul3A_152, %add3A_153 : i32
      %mul3A_155 = arith.constant 2 : i32
      %mul3A_156 = arith.muli %add3A_150, %mul3A_155 : i32
      %add3A_157 = arith.constant 1 : i32
      %add3A_158 = arith.addi %mul3A_156, %add3A_157 : i32
      %dma_wait3A_159 = arith.constant 1 : i32
      %dma_wait3A_160 = arith.constant 0 : i32
      %dma_wait3A_161 = arith.constant 0 : i32
      %dma_wait3A_162 = tpu.memref_slice %arg6[%dma_wait3A_159, %dma_wait3A_160, %dma_wait3A_161] : memref<2x256x64xf32, #tpu.memory_space<vmem>> -> memref<1x128x64xf32, #tpu.memory_space<vmem>>
      %dma_wait3A_163 = tpu.memref_squeeze %dma_wait3A_162 : memref<1x128x64xf32, #tpu.memory_space<vmem>> -> memref<128x64xf32, #tpu.memory_space<vmem>>
      %dma_wait3A_164 = arith.constant 0 : i32
      %dma_wait3A_165 = tpu.memref_slice %arg5[%add3A_154, %dma_wait3A_164] : memref<200x128xi32, #tpu.memory_space<vmem>> -> memref<1x128xi32, #tpu.memory_space<vmem>>
      %dma_wait3A_166 = tpu.memref_squeeze %dma_wait3A_165 : memref<1x128xi32, #tpu.memory_space<vmem>> -> memref<128xi32, #tpu.memory_space<vmem>>
      %dma_wait3A_167 = arith.constant 0 : i32
      %dma_wait3A_168 = arith.constant 0 : i32
      %dma_wait3A_169 = tpu.memref_slice %arg3[%dma_wait3A_167, %dma_wait3A_168] : memref<1000000x64xf32, #tpu.memory_space<hbm>> -> memref<1000000x64xf32, #tpu.memory_space<hbm>>
      tpu.wait_indirect_dma semaphore(%arg8 : memref<!tpu.dma_semaphore, #tpu.memory_space<semaphore_mem>>) src(%dma_wait3A_169 : memref<1000000x64xf32, #tpu.memory_space<hbm>>) dst(%dma_wait3A_163 : memref<128x64xf32, #tpu.memory_space<vmem>>)
      %dma_wait3A_170 = arith.constant 1 : i32
      %dma_wait3A_171 = arith.constant 128 : i32
      %dma_wait3A_172 = arith.constant 0 : i32
      %dma_wait3A_173 = tpu.memref_slice %arg6[%dma_wait3A_170, %dma_wait3A_171, %dma_wait3A_172] : memref<2x256x64xf32, #tpu.memory_space<vmem>> -> memref<1x128x64xf32, #tpu.memory_space<vmem>>
      %dma_wait3A_174 = tpu.memref_squeeze %dma_wait3A_173 : memref<1x128x64xf32, #tpu.memory_space<vmem>> -> memref<128x64xf32, #tpu.memory_space<vmem>>
      %dma_wait3A_175 = arith.constant 0 : i32
      %dma_wait3A_176 = tpu.memref_slice %arg5[%add3A_158, %dma_wait3A_175] : memref<200x128xi32, #tpu.memory_space<vmem>> -> memref<1x128xi32, #tpu.memory_space<vmem>>
      %dma_wait3A_177 = tpu.memref_squeeze %dma_wait3A_176 : memref<1x128xi32, #tpu.memory_space<vmem>> -> memref<128xi32, #tpu.memory_space<vmem>>
      %dma_wait3A_178 = arith.constant 0 : i32
      %dma_wait3A_179 = arith.constant 0 : i32
      %dma_wait3A_180 = tpu.memref_slice %arg3[%dma_wait3A_178, %dma_wait3A_179] : memref<1000000x64xf32, #tpu.memory_space<hbm>> -> memref<1000000x64xf32, #tpu.memory_space<hbm>>
      tpu.wait_indirect_dma semaphore(%arg8 : memref<!tpu.dma_semaphore, #tpu.memory_space<semaphore_mem>>) src(%dma_wait3A_180 : memref<1000000x64xf32, #tpu.memory_space<hbm>>) dst(%dma_wait3A_174 : memref<128x64xf32, #tpu.memory_space<vmem>>)
      %ge3A_181 = arith.constant 2 : i32
      %ge3A_182 = arith.cmpi sge, %add3A_150, %ge3A_181 : i32
      %convert_element_type3A_183 = arith.extui %ge3A_182 : i1 to i32
      %cond3A_184 = arith.constant 0 : i32
      %cond3A_185 = arith.cmpi ne, %convert_element_type3A_183, %cond3A_184 : i32
      scf.if %cond3A_185 {
        %sub3A = arith.constant 2 : i32
        %sub3A_214 = arith.subi %add3A_150, %sub3A : i32
        %mul3A_215 = arith.constant 256 : i32
        %mul3A_216 = arith.muli %sub3A_214, %mul3A_215 : i32
        %add3A_217 = arith.addi %mul3A_2, %mul3A_216 : i32
        %dma_wait3A_218 = arith.constant 1 : i32
        %dma_wait3A_219 = arith.constant 0 : i32
        %dma_wait3A_220 = arith.constant 0 : i32
        %dma_wait3A_221 = tpu.memref_slice %arg7[%dma_wait3A_218, %dma_wait3A_219, %dma_wait3A_220] : memref<2x256x64xf32, #tpu.memory_space<vmem>> -> memref<1x256x64xf32, #tpu.memory_space<vmem>>
        %dma_wait3A_222 = tpu.memref_squeeze %dma_wait3A_221 : memref<1x256x64xf32, #tpu.memory_space<vmem>> -> memref<256x64xf32, #tpu.memory_space<vmem>>
        %dma_wait3A_223 = arith.constant 0 : i32
        %dma_wait3A_224 = tpu.memref_slice %arg4[%add3A_217, %dma_wait3A_223] : memref<819200x64xf32, #tpu.memory_space<hbm>> -> memref<256x64xf32, #tpu.memory_space<hbm>>
        %dma_wait3A_225 = arith.constant 0 : i32
        %dma_wait3A_226 = tpu.memref_slice %arg4[%add3A_217, %dma_wait3A_225] : memref<819200x64xf32, #tpu.memory_space<hbm>> -> memref<256x64xf32, #tpu.memory_space<hbm>>
        %dma_wait3A_227 = arith.constant 0 : i32
        %dma_wait3A_228 = arith.constant 0 : i32
        %dma_wait3A_229 = tpu.memref_slice %arg7[%dma_wait3A_218, %dma_wait3A_227, %dma_wait3A_228] : memref<2x256x64xf32, #tpu.memory_space<vmem>> -> memref<1x256x64xf32, #tpu.memory_space<vmem>>
        %dma_wait3A_230 = tpu.memref_squeeze %dma_wait3A_229 : memref<1x256x64xf32, #tpu.memory_space<vmem>> -> memref<256x64xf32, #tpu.memory_space<vmem>>
        tpu.wait_dma2 semaphore(%arg9 : memref<!tpu.dma_semaphore, #tpu.memory_space<semaphore_mem>>) src(%dma_wait3A_230 : memref<256x64xf32, #tpu.memory_space<vmem>>) dst(%dma_wait3A_226 : memref<256x64xf32, #tpu.memory_space<hbm>>)
      } else {
      }
      %scan3A_186 = arith.constant 0 : i32
      %scan3A_187 = arith.constant 32 : i32
      %scan3A_188 = arith.addi %scan3A_186, %scan3A_187 : i32
      %scan3A_189 = arith.constant 1 : i32
      scf.for %scan3A_214 = %scan3A_186 to %scan3A_188 step %scan3A_189  : i32 {
        %mul3A_215 = arith.constant 8 : i32
        %mul3A_216 = arith.muli %scan3A_214, %mul3A_215 : i32
        %add3A_217 = arith.constant 0 : i32
        %add3A_218 = arith.addi %mul3A_216, %add3A_217 : i32
        %get3A = arith.constant 1 : i32
        %get3A_219 = arith.index_cast %get3A : i32 to index
        %get3A_220 = arith.index_cast %add3A_218 : i32 to index
        %get3A_221 = arith.constant 0 : index
        %get3A_222 = tpu.vector_load %arg6[%get3A_219, %get3A_220, %get3A_221] {strides = array<i32>} : memref<2x256x64xf32, #tpu.memory_space<vmem>>, vector<1x1x16xf32>,
        %get3A_223 = vector.shape_cast %get3A_222 : vector<1x1x16xf32> to vector<16xf32>
        %mul3A_224 = arith.constant 8.000000e+00 : f32
        %mul3A_225 = vector.broadcast %mul3A_224 : f32 to vector<16xf32>
        %mul3A_226 = arith.mulf %get3A_223, %mul3A_225 : vector<16xf32>
        %swap3A = arith.constant 1 : i32
        %swap3A_227 = arith.index_cast %swap3A : i32 to index
        %swap3A_228 = arith.index_cast %add3A_218 : i32 to index
        %swap3A_229 = arith.constant 0 : index
        %swap3A_230 = tpu.vector_load %arg7[%swap3A_227, %swap3A_228, %swap3A_229] {strides = array<i32>} : memref<2x256x64xf32, #tpu.memory_space<vmem>>, vector<1x1x16xf32>,
        %swap3A_231 = vector.shape_cast %swap3A_230 : vector<1x1x16xf32> to vector<16xf32>
        %swap3A_232 = vector.shape_cast %mul3A_226 : vector<16xf32> to vector<1x1x16xf32>
        tpu.vector_store %arg7[%swap3A_227, %swap3A_228, %swap3A_229], %swap3A_232 {strides = array<i32>} : memref<2x256x64xf32, #tpu.memory_space<vmem>>, vector<1x1x16xf32>,
        %get3A_233 = arith.constant 1 : i32
        %get3A_234 = arith.index_cast %get3A_233 : i32 to index
        %get3A_235 = arith.index_cast %add3A_218 : i32 to index
        %get3A_236 = arith.constant 16 : index
        %get3A_237 = tpu.vector_load %arg6[%get3A_234, %get3A_235, %get3A_236] {strides = array<i32>} : memref<2x256x64xf32, #tpu.memory_space<vmem>>, vector<1x1x16xf32>,
        %get3A_238 = vector.shape_cast %get3A_237 : vector<1x1x16xf32> to vector<16xf32>
        %mul3A_239 = arith.constant 8.000000e+00 : f32
        %mul3A_240 = vector.broadcast %mul3A_239 : f32 to vector<16xf32>
        %mul3A_241 = arith.mulf %get3A_238, %mul3A_240 : vector<16xf32>
        %swap3A_242 = arith.constant 1 : i32
        %swap3A_243 = arith.index_cast %swap3A_242 : i32 to index
        %swap3A_244 = arith.index_cast %add3A_218 : i32 to index
        %swap3A_245 = arith.constant 16 : index
        %swap3A_246 = tpu.vector_load %arg7[%swap3A_243, %swap3A_244, %swap3A_245] {strides = array<i32>} : memref<2x256x64xf32, #tpu.memory_space<vmem>>, vector<1x1x16xf32>,
        %swap3A_247 = vector.shape_cast %swap3A_246 : vector<1x1x16xf32> to vector<16xf32>
        %swap3A_248 = vector.shape_cast %mul3A_241 : vector<16xf32> to vector<1x1x16xf32>
        tpu.vector_store %arg7[%swap3A_243, %swap3A_244, %swap3A_245], %swap3A_248 {strides = array<i32>} : memref<2x256x64xf32, #tpu.memory_space<vmem>>, vector<1x1x16xf32>,
        %get3A_249 = arith.constant 1 : i32
        %get3A_250 = arith.index_cast %get3A_249 : i32 to index
        %get3A_251 = arith.index_cast %add3A_218 : i32 to index
        %get3A_252 = arith.constant 32 : index
        %get3A_253 = tpu.vector_load %arg6[%get3A_250, %get3A_251, %get3A_252] {strides = array<i32>} : memref<2x256x64xf32, #tpu.memory_space<vmem>>, vector<1x1x16xf32>,
        %get3A_254 = vector.shape_cast %get3A_253 : vector<1x1x16xf32> to vector<16xf32>
        %mul3A_255 = arith.constant 8.000000e+00 : f32
        %mul3A_256 = vector.broadcast %mul3A_255 : f32 to vector<16xf32>
        %mul3A_257 = arith.mulf %get3A_254, %mul3A_256 : vector<16xf32>
        %swap3A_258 = arith.constant 1 : i32
        %swap3A_259 = arith.index_cast %swap3A_258 : i32 to index
        %swap3A_260 = arith.index_cast %add3A_218 : i32 to index
        %swap3A_261 = arith.constant 32 : index
        %swap3A_262 = tpu.vector_load %arg7[%swap3A_259, %swap3A_260, %swap3A_261] {strides = array<i32>} : memref<2x256x64xf32, #tpu.memory_space<vmem>>, vector<1x1x16xf32>,
        %swap3A_263 = vector.shape_cast %swap3A_262 : vector<1x1x16xf32> to vector<16xf32>
        %swap3A_264 = vector.shape_cast %mul3A_257 : vector<16xf32> to vector<1x1x16xf32>
        tpu.vector_store %arg7[%swap3A_259, %swap3A_260, %swap3A_261], %swap3A_264 {strides = array<i32>} : memref<2x256x64xf32, #tpu.memory_space<vmem>>, vector<1x1x16xf32>,
        %get3A_265 = arith.constant 1 : i32
        %get3A_266 = arith.index_cast %get3A_265 : i32 to index
        %get3A_267 = arith.index_cast %add3A_218 : i32 to index
        %get3A_268 = arith.constant 48 : index
        %get3A_269 = tpu.vector_load %arg6[%get3A_266, %get3A_267, %get3A_268] {strides = array<i32>} : memref<2x256x64xf32, #tpu.memory_space<vmem>>, vector<1x1x16xf32>,
        %get3A_270 = vector.shape_cast %get3A_269 : vector<1x1x16xf32> to vector<16xf32>
        %mul3A_271 = arith.constant 8.000000e+00 : f32
        %mul3A_272 = vector.broadcast %mul3A_271 : f32 to vector<16xf32>
        %mul3A_273 = arith.mulf %get3A_270, %mul3A_272 : vector<16xf32>
        %swap3A_274 = arith.constant 1 : i32
        %swap3A_275 = arith.index_cast %swap3A_274 : i32 to index
        %swap3A_276 = arith.index_cast %add3A_218 : i32 to index
        %swap3A_277 = arith.constant 48 : index
        %swap3A_278 = tpu.vector_load %arg7[%swap3A_275, %swap3A_276, %swap3A_277] {strides = array<i32>} : memref<2x256x64xf32, #tpu.memory_space<vmem>>, vector<1x1x16xf32>,
        %swap3A_279 = vector.shape_cast %swap3A_278 : vector<1x1x16xf32> to vector<16xf32>
        %swap3A_280 = vector.shape_cast %mul3A_273 : vector<16xf32> to vector<1x1x16xf32>
        tpu.vector_store %arg7[%swap3A_275, %swap3A_276, %swap3A_277], %swap3A_280 {strides = array<i32>} : memref<2x256x64xf32, #tpu.memory_space<vmem>>, vector<1x1x16xf32>,
        %mul3A_281 = arith.constant 8 : i32
        %mul3A_282 = arith.muli %scan3A_214, %mul3A_281 : i32
        %add3A_283 = arith.constant 1 : i32
        %add3A_284 = arith.addi %mul3A_282, %add3A_283 : i32
        %get3A_285 = arith.constant 1 : i32
        %get3A_286 = arith.index_cast %get3A_285 : i32 to index
        %get3A_287 = arith.index_cast %add3A_284 : i32 to index
        %get3A_288 = arith.constant 0 : index
        %get3A_289 = tpu.vector_load %arg6[%get3A_286, %get3A_287, %get3A_288] {strides = array<i32>} : memref<2x256x64xf32, #tpu.memory_space<vmem>>, vector<1x1x16xf32>,
        %get3A_290 = vector.shape_cast %get3A_289 : vector<1x1x16xf32> to vector<16xf32>
        %mul3A_291 = arith.constant 8.000000e+00 : f32
        %mul3A_292 = vector.broadcast %mul3A_291 : f32 to vector<16xf32>
        %mul3A_293 = arith.mulf %get3A_290, %mul3A_292 : vector<16xf32>
        %swap3A_294 = arith.constant 1 : i32
        %swap3A_295 = arith.index_cast %swap3A_294 : i32 to index
        %swap3A_296 = arith.index_cast %add3A_284 : i32 to index
        %swap3A_297 = arith.constant 0 : index
        %swap3A_298 = tpu.vector_load %arg7[%swap3A_295, %swap3A_296, %swap3A_297] {strides = array<i32>} : memref<2x256x64xf32, #tpu.memory_space<vmem>>, vector<1x1x16xf32>,
        %swap3A_299 = vector.shape_cast %swap3A_298 : vector<1x1x16xf32> to vector<16xf32>
        %swap3A_300 = vector.shape_cast %mul3A_293 : vector<16xf32> to vector<1x1x16xf32>
        tpu.vector_store %arg7[%swap3A_295, %swap3A_296, %swap3A_297], %swap3A_300 {strides = array<i32>} : memref<2x256x64xf32, #tpu.memory_space<vmem>>, vector<1x1x16xf32>,
        %get3A_301 = arith.constant 1 : i32
        %get3A_302 = arith.index_cast %get3A_301 : i32 to index
        %get3A_303 = arith.index_cast %add3A_284 : i32 to index
        %get3A_304 = arith.constant 16 : index
        %get3A_305 = tpu.vector_load %arg6[%get3A_302, %get3A_303, %get3A_304] {strides = array<i32>} : memref<2x256x64xf32, #tpu.memory_space<vmem>>, vector<1x1x16xf32>,
        %get3A_306 = vector.shape_cast %get3A_305 : vector<1x1x16xf32> to vector<16xf32>
        %mul3A_307 = arith.constant 8.000000e+00 : f32
        %mul3A_308 = vector.broadcast %mul3A_307 : f32 to vector<16xf32>
        %mul3A_309 = arith.mulf %get3A_306, %mul3A_308 : vector<16xf32>
        %swap3A_310 = arith.constant 1 : i32
        %swap3A_311 = arith.index_cast %swap3A_310 : i32 to index
        %swap3A_312 = arith.index_cast %add3A_284 : i32 to index
        %swap3A_313 = arith.constant 16 : index
        %swap3A_314 = tpu.vector_load %arg7[%swap3A_311, %swap3A_312, %swap3A_313] {strides = array<i32>} : memref<2x256x64xf32, #tpu.memory_space<vmem>>, vector<1x1x16xf32>,
        %swap3A_315 = vector.shape_cast %swap3A_314 : vector<1x1x16xf32> to vector<16xf32>
        %swap3A_316 = vector.shape_cast %mul3A_309 : vector<16xf32> to vector<1x1x16xf32>
        tpu.vector_store %arg7[%swap3A_311, %swap3A_312, %swap3A_313], %swap3A_316 {strides = array<i32>} : memref<2x256x64xf32, #tpu.memory_space<vmem>>, vector<1x1x16xf32>,
        %get3A_317 = arith.constant 1 : i32
        %get3A_318 = arith.index_cast %get3A_317 : i32 to index
        %get3A_319 = arith.index_cast %add3A_284 : i32 to index
        %get3A_320 = arith.constant 32 : index
        %get3A_321 = tpu.vector_load %arg6[%get3A_318, %get3A_319, %get3A_320] {strides = array<i32>} : memref<2x256x64xf32, #tpu.memory_space<vmem>>, vector<1x1x16xf32>,
        %get3A_322 = vector.shape_cast %get3A_321 : vector<1x1x16xf32> to vector<16xf32>
        %mul3A_323 = arith.constant 8.000000e+00 : f32
        %mul3A_324 = vector.broadcast %mul3A_323 : f32 to vector<16xf32>
        %mul3A_325 = arith.mulf %get3A_322, %mul3A_324 : vector<16xf32>
        %swap3A_326 = arith.constant 1 : i32
        %swap3A_327 = arith.index_cast %swap3A_326 : i32 to index
        %swap3A_328 = arith.index_cast %add3A_284 : i32 to index
        %swap3A_329 = arith.constant 32 : index
        %swap3A_330 = tpu.vector_load %arg7[%swap3A_327, %swap3A_328, %swap3A_329] {strides = array<i32>} : memref<2x256x64xf32, #tpu.memory_space<vmem>>, vector<1x1x16xf32>,
        %swap3A_331 = vector.shape_cast %swap3A_330 : vector<1x1x16xf32> to vector<16xf32>
        %swap3A_332 = vector.shape_cast %mul3A_325 : vector<16xf32> to vector<1x1x16xf32>
        tpu.vector_store %arg7[%swap3A_327, %swap3A_328, %swap3A_329], %swap3A_332 {strides = array<i32>} : memref<2x256x64xf32, #tpu.memory_space<vmem>>, vector<1x1x16xf32>,
        %get3A_333 = arith.constant 1 : i32
        %get3A_334 = arith.index_cast %get3A_333 : i32 to index
        %get3A_335 = arith.index_cast %add3A_284 : i32 to index
        %get3A_336 = arith.constant 48 : index
        %get3A_337 = tpu.vector_load %arg6[%get3A_334, %get3A_335, %get3A_336] {strides = array<i32>} : memref<2x256x64xf32, #tpu.memory_space<vmem>>, vector<1x1x16xf32>,
        %get3A_338 = vector.shape_cast %get3A_337 : vector<1x1x16xf32> to vector<16xf32>
        %mul3A_339 = arith.constant 8.000000e+00 : f32
        %mul3A_340 = vector.broadcast %mul3A_339 : f32 to vector<16xf32>
        %mul3A_341 = arith.mulf %get3A_338, %mul3A_340 : vector<16xf32>
        %swap3A_342 = arith.constant 1 : i32
        %swap3A_343 = arith.index_cast %swap3A_342 : i32 to index
        %swap3A_344 = arith.index_cast %add3A_284 : i32 to index
        %swap3A_345 = arith.constant 48 : index
        %swap3A_346 = tpu.vector_load %arg7[%swap3A_343, %swap3A_344, %swap3A_345] {strides = array<i32>} : memref<2x256x64xf32, #tpu.memory_space<vmem>>, vector<1x1x16xf32>,
        %swap3A_347 = vector.shape_cast %swap3A_346 : vector<1x1x16xf32> to vector<16xf32>
        %swap3A_348 = vector.shape_cast %mul3A_341 : vector<16xf32> to vector<1x1x16xf32>
        tpu.vector_store %arg7[%swap3A_343, %swap3A_344, %swap3A_345], %swap3A_348 {strides = array<i32>} : memref<2x256x64xf32, #tpu.memory_space<vmem>>, vector<1x1x16xf32>,
        %mul3A_349 = arith.constant 8 : i32
        %mul3A_350 = arith.muli %scan3A_214, %mul3A_349 : i32
        %add3A_351 = arith.constant 2 : i32
        %add3A_352 = arith.addi %mul3A_350, %add3A_351 : i32
        %get3A_353 = arith.constant 1 : i32
        %get3A_354 = arith.index_cast %get3A_353 : i32 to index
        %get3A_355 = arith.index_cast %add3A_352 : i32 to index
        %get3A_356 = arith.constant 0 : index
        %get3A_357 = tpu.vector_load %arg6[%get3A_354, %get3A_355, %get3A_356] {strides = array<i32>} : memref<2x256x64xf32, #tpu.memory_space<vmem>>, vector<1x1x16xf32>,
        %get3A_358 = vector.shape_cast %get3A_357 : vector<1x1x16xf32> to vector<16xf32>
        %mul3A_359 = arith.constant 8.000000e+00 : f32
        %mul3A_360 = vector.broadcast %mul3A_359 : f32 to vector<16xf32>
        %mul3A_361 = arith.mulf %get3A_358, %mul3A_360 : vector<16xf32>
        %swap3A_362 = arith.constant 1 : i32
        %swap3A_363 = arith.index_cast %swap3A_362 : i32 to index
        %swap3A_364 = arith.index_cast %add3A_352 : i32 to index
        %swap3A_365 = arith.constant 0 : index
        %swap3A_366 = tpu.vector_load %arg7[%swap3A_363, %swap3A_364, %swap3A_365] {strides = array<i32>} : memref<2x256x64xf32, #tpu.memory_space<vmem>>, vector<1x1x16xf32>,
        %swap3A_367 = vector.shape_cast %swap3A_366 : vector<1x1x16xf32> to vector<16xf32>
        %swap3A_368 = vector.shape_cast %mul3A_361 : vector<16xf32> to vector<1x1x16xf32>
        tpu.vector_store %arg7[%swap3A_363, %swap3A_364, %swap3A_365], %swap3A_368 {strides = array<i32>} : memref<2x256x64xf32, #tpu.memory_space<vmem>>, vector<1x1x16xf32>,
        %get3A_369 = arith.constant 1 : i32
        %get3A_370 = arith.index_cast %get3A_369 : i32 to index
        %get3A_371 = arith.index_cast %add3A_352 : i32 to index
        %get3A_372 = arith.constant 16 : index
        %get3A_373 = tpu.vector_load %arg6[%get3A_370, %get3A_371, %get3A_372] {strides = array<i32>} : memref<2x256x64xf32, #tpu.memory_space<vmem>>, vector<1x1x16xf32>,
        %get3A_374 = vector.shape_cast %get3A_373 : vector<1x1x16xf32> to vector<16xf32>
        %mul3A_375 = arith.constant 8.000000e+00 : f32
        %mul3A_376 = vector.broadcast %mul3A_375 : f32 to vector<16xf32>
        %mul3A_377 = arith.mulf %get3A_374, %mul3A_376 : vector<16xf32>
        %swap3A_378 = arith.constant 1 : i32
        %swap3A_379 = arith.index_cast %swap3A_378 : i32 to index
        %swap3A_380 = arith.index_cast %add3A_352 : i32 to index
        %swap3A_381 = arith.constant 16 : index
        %swap3A_382 = tpu.vector_load %arg7[%swap3A_379, %swap3A_380, %swap3A_381] {strides = array<i32>} : memref<2x256x64xf32, #tpu.memory_space<vmem>>, vector<1x1x16xf32>,
        %swap3A_383 = vector.shape_cast %swap3A_382 : vector<1x1x16xf32> to vector<16xf32>
        %swap3A_384 = vector.shape_cast %mul3A_377 : vector<16xf32> to vector<1x1x16xf32>
        tpu.vector_store %arg7[%swap3A_379, %swap3A_380, %swap3A_381], %swap3A_384 {strides = array<i32>} : memref<2x256x64xf32, #tpu.memory_space<vmem>>, vector<1x1x16xf32>,
        %get3A_385 = arith.constant 1 : i32
        %get3A_386 = arith.index_cast %get3A_385 : i32 to index
        %get3A_387 = arith.index_cast %add3A_352 : i32 to index
        %get3A_388 = arith.constant 32 : index
        %get3A_389 = tpu.vector_load %arg6[%get3A_386, %get3A_387, %get3A_388] {strides = array<i32>} : memref<2x256x64xf32, #tpu.memory_space<vmem>>, vector<1x1x16xf32>,
        %get3A_390 = vector.shape_cast %get3A_389 : vector<1x1x16xf32> to vector<16xf32>
        %mul3A_391 = arith.constant 8.000000e+00 : f32
        %mul3A_392 = vector.broadcast %mul3A_391 : f32 to vector<16xf32>
        %mul3A_393 = arith.mulf %get3A_390, %mul3A_392 : vector<16xf32>
        %swap3A_394 = arith.constant 1 : i32
        %swap3A_395 = arith.index_cast %swap3A_394 : i32 to index
        %swap3A_396 = arith.index_cast %add3A_352 : i32 to index
        %swap3A_397 = arith.constant 32 : index
        %swap3A_398 = tpu.vector_load %arg7[%swap3A_395, %swap3A_396, %swap3A_397] {strides = array<i32>} : memref<2x256x64xf32, #tpu.memory_space<vmem>>, vector<1x1x16xf32>,
        %swap3A_399 = vector.shape_cast %swap3A_398 : vector<1x1x16xf32> to vector<16xf32>
        %swap3A_400 = vector.shape_cast %mul3A_393 : vector<16xf32> to vector<1x1x16xf32>
        tpu.vector_store %arg7[%swap3A_395, %swap3A_396, %swap3A_397], %swap3A_400 {strides = array<i32>} : memref<2x256x64xf32, #tpu.memory_space<vmem>>, vector<1x1x16xf32>,
        %get3A_401 = arith.constant 1 : i32
        %get3A_402 = arith.index_cast %get3A_401 : i32 to index
        %get3A_403 = arith.index_cast %add3A_352 : i32 to index
        %get3A_404 = arith.constant 48 : index
        %get3A_405 = tpu.vector_load %arg6[%get3A_402, %get3A_403, %get3A_404] {strides = array<i32>} : memref<2x256x64xf32, #tpu.memory_space<vmem>>, vector<1x1x16xf32>,
        %get3A_406 = vector.shape_cast %get3A_405 : vector<1x1x16xf32> to vector<16xf32>
        %mul3A_407 = arith.constant 8.000000e+00 : f32
        %mul3A_408 = vector.broadcast %mul3A_407 : f32 to vector<16xf32>
        %mul3A_409 = arith.mulf %get3A_406, %mul3A_408 : vector<16xf32>
        %swap3A_410 = arith.constant 1 : i32
        %swap3A_411 = arith.index_cast %swap3A_410 : i32 to index
        %swap3A_412 = arith.index_cast %add3A_352 : i32 to index
        %swap3A_413 = arith.constant 48 : index
        %swap3A_414 = tpu.vector_load %arg7[%swap3A_411, %swap3A_412, %swap3A_413] {strides = array<i32>} : memref<2x256x64xf32, #tpu.memory_space<vmem>>, vector<1x1x16xf32>,
        %swap3A_415 = vector.shape_cast %swap3A_414 : vector<1x1x16xf32> to vector<16xf32>
        %swap3A_416 = vector.shape_cast %mul3A_409 : vector<16xf32> to vector<1x1x16xf32>
        tpu.vector_store %arg7[%swap3A_411, %swap3A_412, %swap3A_413], %swap3A_416 {strides = array<i32>} : memref<2x256x64xf32, #tpu.memory_space<vmem>>, vector<1x1x16xf32>,
        %mul3A_417 = arith.constant 8 : i32
        %mul3A_418 = arith.muli %scan3A_214, %mul3A_417 : i32
        %add3A_419 = arith.constant 3 : i32
        %add3A_420 = arith.addi %mul3A_418, %add3A_419 : i32
        %get3A_421 = arith.constant 1 : i32
        %get3A_422 = arith.index_cast %get3A_421 : i32 to index
        %get3A_423 = arith.index_cast %add3A_420 : i32 to index
        %get3A_424 = arith.constant 0 : index
        %get3A_425 = tpu.vector_load %arg6[%get3A_422, %get3A_423, %get3A_424] {strides = array<i32>} : memref<2x256x64xf32, #tpu.memory_space<vmem>>, vector<1x1x16xf32>,
        %get3A_426 = vector.shape_cast %get3A_425 : vector<1x1x16xf32> to vector<16xf32>
        %mul3A_427 = arith.constant 8.000000e+00 : f32
        %mul3A_428 = vector.broadcast %mul3A_427 : f32 to vector<16xf32>
        %mul3A_429 = arith.mulf %get3A_426, %mul3A_428 : vector<16xf32>
        %swap3A_430 = arith.constant 1 : i32
        %swap3A_431 = arith.index_cast %swap3A_430 : i32 to index
        %swap3A_432 = arith.index_cast %add3A_420 : i32 to index
        %swap3A_433 = arith.constant 0 : index
        %swap3A_434 = tpu.vector_load %arg7[%swap3A_431, %swap3A_432, %swap3A_433] {strides = array<i32>} : memref<2x256x64xf32, #tpu.memory_space<vmem>>, vector<1x1x16xf32>,
        %swap3A_435 = vector.shape_cast %swap3A_434 : vector<1x1x16xf32> to vector<16xf32>
        %swap3A_436 = vector.shape_cast %mul3A_429 : vector<16xf32> to vector<1x1x16xf32>
        tpu.vector_store %arg7[%swap3A_431, %swap3A_432, %swap3A_433], %swap3A_436 {strides = array<i32>} : memref<2x256x64xf32, #tpu.memory_space<vmem>>, vector<1x1x16xf32>,
        %get3A_437 = arith.constant 1 : i32
        %get3A_438 = arith.index_cast %get3A_437 : i32 to index
        %get3A_439 = arith.index_cast %add3A_420 : i32 to index
        %get3A_440 = arith.constant 16 : index
        %get3A_441 = tpu.vector_load %arg6[%get3A_438, %get3A_439, %get3A_440] {strides = array<i32>} : memref<2x256x64xf32, #tpu.memory_space<vmem>>, vector<1x1x16xf32>,
        %get3A_442 = vector.shape_cast %get3A_441 : vector<1x1x16xf32> to vector<16xf32>
        %mul3A_443 = arith.constant 8.000000e+00 : f32
        %mul3A_444 = vector.broadcast %mul3A_443 : f32 to vector<16xf32>
        %mul3A_445 = arith.mulf %get3A_442, %mul3A_444 : vector<16xf32>
        %swap3A_446 = arith.constant 1 : i32
        %swap3A_447 = arith.index_cast %swap3A_446 : i32 to index
        %swap3A_448 = arith.index_cast %add3A_420 : i32 to index
        %swap3A_449 = arith.constant 16 : index
        %swap3A_450 = tpu.vector_load %arg7[%swap3A_447, %swap3A_448, %swap3A_449] {strides = array<i32>} : memref<2x256x64xf32, #tpu.memory_space<vmem>>, vector<1x1x16xf32>,
        %swap3A_451 = vector.shape_cast %swap3A_450 : vector<1x1x16xf32> to vector<16xf32>
        %swap3A_452 = vector.shape_cast %mul3A_445 : vector<16xf32> to vector<1x1x16xf32>
        tpu.vector_store %arg7[%swap3A_447, %swap3A_448, %swap3A_449], %swap3A_452 {strides = array<i32>} : memref<2x256x64xf32, #tpu.memory_space<vmem>>, vector<1x1x16xf32>,
        %get3A_453 = arith.constant 1 : i32
        %get3A_454 = arith.index_cast %get3A_453 : i32 to index
        %get3A_455 = arith.index_cast %add3A_420 : i32 to index
        %get3A_456 = arith.constant 32 : index
        %get3A_457 = tpu.vector_load %arg6[%get3A_454, %get3A_455, %get3A_456] {strides = array<i32>} : memref<2x256x64xf32, #tpu.memory_space<vmem>>, vector<1x1x16xf32>,
        %get3A_458 = vector.shape_cast %get3A_457 : vector<1x1x16xf32> to vector<16xf32>
        %mul3A_459 = arith.constant 8.000000e+00 : f32
        %mul3A_460 = vector.broadcast %mul3A_459 : f32 to vector<16xf32>
        %mul3A_461 = arith.mulf %get3A_458, %mul3A_460 : vector<16xf32>
        %swap3A_462 = arith.constant 1 : i32
        %swap3A_463 = arith.index_cast %swap3A_462 : i32 to index
        %swap3A_464 = arith.index_cast %add3A_420 : i32 to index
        %swap3A_465 = arith.constant 32 : index
        %swap3A_466 = tpu.vector_load %arg7[%swap3A_463, %swap3A_464, %swap3A_465] {strides = array<i32>} : memref<2x256x64xf32, #tpu.memory_space<vmem>>, vector<1x1x16xf32>,
        %swap3A_467 = vector.shape_cast %swap3A_466 : vector<1x1x16xf32> to vector<16xf32>
        %swap3A_468 = vector.shape_cast %mul3A_461 : vector<16xf32> to vector<1x1x16xf32>
        tpu.vector_store %arg7[%swap3A_463, %swap3A_464, %swap3A_465], %swap3A_468 {strides = array<i32>} : memref<2x256x64xf32, #tpu.memory_space<vmem>>, vector<1x1x16xf32>,
        %get3A_469 = arith.constant 1 : i32
        %get3A_470 = arith.index_cast %get3A_469 : i32 to index
        %get3A_471 = arith.index_cast %add3A_420 : i32 to index
        %get3A_472 = arith.constant 48 : index
        %get3A_473 = tpu.vector_load %arg6[%get3A_470, %get3A_471, %get3A_472] {strides = array<i32>} : memref<2x256x64xf32, #tpu.memory_space<vmem>>, vector<1x1x16xf32>,
        %get3A_474 = vector.shape_cast %get3A_473 : vector<1x1x16xf32> to vector<16xf32>
        %mul3A_475 = arith.constant 8.000000e+00 : f32
        %mul3A_476 = vector.broadcast %mul3A_475 : f32 to vector<16xf32>
        %mul3A_477 = arith.mulf %get3A_474, %mul3A_476 : vector<16xf32>
        %swap3A_478 = arith.constant 1 : i32
        %swap3A_479 = arith.index_cast %swap3A_478 : i32 to index
        %swap3A_480 = arith.index_cast %add3A_420 : i32 to index
        %swap3A_481 = arith.constant 48 : index
        %swap3A_482 = tpu.vector_load %arg7[%swap3A_479, %swap3A_480, %swap3A_481] {strides = array<i32>} : memref<2x256x64xf32, #tpu.memory_space<vmem>>, vector<1x1x16xf32>,
        %swap3A_483 = vector.shape_cast %swap3A_482 : vector<1x1x16xf32> to vector<16xf32>
        %swap3A_484 = vector.shape_cast %mul3A_477 : vector<16xf32> to vector<1x1x16xf32>
        tpu.vector_store %arg7[%swap3A_479, %swap3A_480, %swap3A_481], %swap3A_484 {strides = array<i32>} : memref<2x256x64xf32, #tpu.memory_space<vmem>>, vector<1x1x16xf32>,
        %mul3A_485 = arith.constant 8 : i32
        %mul3A_486 = arith.muli %scan3A_214, %mul3A_485 : i32
        %add3A_487 = arith.constant 4 : i32
        %add3A_488 = arith.addi %mul3A_486, %add3A_487 : i32
        %get3A_489 = arith.constant 1 : i32
        %get3A_490 = arith.index_cast %get3A_489 : i32 to index
        %get3A_491 = arith.index_cast %add3A_488 : i32 to index
        %get3A_492 = arith.constant 0 : index
        %get3A_493 = tpu.vector_load %arg6[%get3A_490, %get3A_491, %get3A_492] {strides = array<i32>} : memref<2x256x64xf32, #tpu.memory_space<vmem>>, vector<1x1x16xf32>,
        %get3A_494 = vector.shape_cast %get3A_493 : vector<1x1x16xf32> to vector<16xf32>
        %mul3A_495 = arith.constant 8.000000e+00 : f32
        %mul3A_496 = vector.broadcast %mul3A_495 : f32 to vector<16xf32>
        %mul3A_497 = arith.mulf %get3A_494, %mul3A_496 : vector<16xf32>
        %swap3A_498 = arith.constant 1 : i32
        %swap3A_499 = arith.index_cast %swap3A_498 : i32 to index
        %swap3A_500 = arith.index_cast %add3A_488 : i32 to index
        %swap3A_501 = arith.constant 0 : index
        %swap3A_502 = tpu.vector_load %arg7[%swap3A_499, %swap3A_500, %swap3A_501] {strides = array<i32>} : memref<2x256x64xf32, #tpu.memory_space<vmem>>, vector<1x1x16xf32>,
        %swap3A_503 = vector.shape_cast %swap3A_502 : vector<1x1x16xf32> to vector<16xf32>
        %swap3A_504 = vector.shape_cast %mul3A_497 : vector<16xf32> to vector<1x1x16xf32>
        tpu.vector_store %arg7[%swap3A_499, %swap3A_500, %swap3A_501], %swap3A_504 {strides = array<i32>} : memref<2x256x64xf32, #tpu.memory_space<vmem>>, vector<1x1x16xf32>,
        %get3A_505 = arith.constant 1 : i32
        %get3A_506 = arith.index_cast %get3A_505 : i32 to index
        %get3A_507 = arith.index_cast %add3A_488 : i32 to index
        %get3A_508 = arith.constant 16 : index
        %get3A_509 = tpu.vector_load %arg6[%get3A_506, %get3A_507, %get3A_508] {strides = array<i32>} : memref<2x256x64xf32, #tpu.memory_space<vmem>>, vector<1x1x16xf32>,
        %get3A_510 = vector.shape_cast %get3A_509 : vector<1x1x16xf32> to vector<16xf32>
        %mul3A_511 = arith.constant 8.000000e+00 : f32
        %mul3A_512 = vector.broadcast %mul3A_511 : f32 to vector<16xf32>
        %mul3A_513 = arith.mulf %get3A_510, %mul3A_512 : vector<16xf32>
        %swap3A_514 = arith.constant 1 : i32
        %swap3A_515 = arith.index_cast %swap3A_514 : i32 to index
        %swap3A_516 = arith.index_cast %add3A_488 : i32 to index
        %swap3A_517 = arith.constant 16 : index
        %swap3A_518 = tpu.vector_load %arg7[%swap3A_515, %swap3A_516, %swap3A_517] {strides = array<i32>} : memref<2x256x64xf32, #tpu.memory_space<vmem>>, vector<1x1x16xf32>,
        %swap3A_519 = vector.shape_cast %swap3A_518 : vector<1x1x16xf32> to vector<16xf32>
        %swap3A_520 = vector.shape_cast %mul3A_513 : vector<16xf32> to vector<1x1x16xf32>
        tpu.vector_store %arg7[%swap3A_515, %swap3A_516, %swap3A_517], %swap3A_520 {strides = array<i32>} : memref<2x256x64xf32, #tpu.memory_space<vmem>>, vector<1x1x16xf32>,
        %get3A_521 = arith.constant 1 : i32
        %get3A_522 = arith.index_cast %get3A_521 : i32 to index
        %get3A_523 = arith.index_cast %add3A_488 : i32 to index
        %get3A_524 = arith.constant 32 : index
        %get3A_525 = tpu.vector_load %arg6[%get3A_522, %get3A_523, %get3A_524] {strides = array<i32>} : memref<2x256x64xf32, #tpu.memory_space<vmem>>, vector<1x1x16xf32>,
        %get3A_526 = vector.shape_cast %get3A_525 : vector<1x1x16xf32> to vector<16xf32>
        %mul3A_527 = arith.constant 8.000000e+00 : f32
        %mul3A_528 = vector.broadcast %mul3A_527 : f32 to vector<16xf32>
        %mul3A_529 = arith.mulf %get3A_526, %mul3A_528 : vector<16xf32>
        %swap3A_530 = arith.constant 1 : i32
        %swap3A_531 = arith.index_cast %swap3A_530 : i32 to index
        %swap3A_532 = arith.index_cast %add3A_488 : i32 to index
        %swap3A_533 = arith.constant 32 : index
        %swap3A_534 = tpu.vector_load %arg7[%swap3A_531, %swap3A_532, %swap3A_533] {strides = array<i32>} : memref<2x256x64xf32, #tpu.memory_space<vmem>>, vector<1x1x16xf32>,
        %swap3A_535 = vector.shape_cast %swap3A_534 : vector<1x1x16xf32> to vector<16xf32>
        %swap3A_536 = vector.shape_cast %mul3A_529 : vector<16xf32> to vector<1x1x16xf32>
        tpu.vector_store %arg7[%swap3A_531, %swap3A_532, %swap3A_533], %swap3A_536 {strides = array<i32>} : memref<2x256x64xf32, #tpu.memory_space<vmem>>, vector<1x1x16xf32>,
        %get3A_537 = arith.constant 1 : i32
        %get3A_538 = arith.index_cast %get3A_537 : i32 to index
        %get3A_539 = arith.index_cast %add3A_488 : i32 to index
        %get3A_540 = arith.constant 48 : index
        %get3A_541 = tpu.vector_load %arg6[%get3A_538, %get3A_539, %get3A_540] {strides = array<i32>} : memref<2x256x64xf32, #tpu.memory_space<vmem>>, vector<1x1x16xf32>,
        %get3A_542 = vector.shape_cast %get3A_541 : vector<1x1x16xf32> to vector<16xf32>
        %mul3A_543 = arith.constant 8.000000e+00 : f32
        %mul3A_544 = vector.broadcast %mul3A_543 : f32 to vector<16xf32>
        %mul3A_545 = arith.mulf %get3A_542, %mul3A_544 : vector<16xf32>
        %swap3A_546 = arith.constant 1 : i32
        %swap3A_547 = arith.index_cast %swap3A_546 : i32 to index
        %swap3A_548 = arith.index_cast %add3A_488 : i32 to index
        %swap3A_549 = arith.constant 48 : index
        %swap3A_550 = tpu.vector_load %arg7[%swap3A_547, %swap3A_548, %swap3A_549] {strides = array<i32>} : memref<2x256x64xf32, #tpu.memory_space<vmem>>, vector<1x1x16xf32>,
        %swap3A_551 = vector.shape_cast %swap3A_550 : vector<1x1x16xf32> to vector<16xf32>
        %swap3A_552 = vector.shape_cast %mul3A_545 : vector<16xf32> to vector<1x1x16xf32>
        tpu.vector_store %arg7[%swap3A_547, %swap3A_548, %swap3A_549], %swap3A_552 {strides = array<i32>} : memref<2x256x64xf32, #tpu.memory_space<vmem>>, vector<1x1x16xf32>,
        %mul3A_553 = arith.constant 8 : i32
        %mul3A_554 = arith.muli %scan3A_214, %mul3A_553 : i32
        %add3A_555 = arith.constant 5 : i32
        %add3A_556 = arith.addi %mul3A_554, %add3A_555 : i32
        %get3A_557 = arith.constant 1 : i32
        %get3A_558 = arith.index_cast %get3A_557 : i32 to index
        %get3A_559 = arith.index_cast %add3A_556 : i32 to index
        %get3A_560 = arith.constant 0 : index
        %get3A_561 = tpu.vector_load %arg6[%get3A_558, %get3A_559, %get3A_560] {strides = array<i32>} : memref<2x256x64xf32, #tpu.memory_space<vmem>>, vector<1x1x16xf32>,
        %get3A_562 = vector.shape_cast %get3A_561 : vector<1x1x16xf32> to vector<16xf32>
        %mul3A_563 = arith.constant 8.000000e+00 : f32
        %mul3A_564 = vector.broadcast %mul3A_563 : f32 to vector<16xf32>
        %mul3A_565 = arith.mulf %get3A_562, %mul3A_564 : vector<16xf32>
        %swap3A_566 = arith.constant 1 : i32
        %swap3A_567 = arith.index_cast %swap3A_566 : i32 to index
        %swap3A_568 = arith.index_cast %add3A_556 : i32 to index
        %swap3A_569 = arith.constant 0 : index
        %swap3A_570 = tpu.vector_load %arg7[%swap3A_567, %swap3A_568, %swap3A_569] {strides = array<i32>} : memref<2x256x64xf32, #tpu.memory_space<vmem>>, vector<1x1x16xf32>,
        %swap3A_571 = vector.shape_cast %swap3A_570 : vector<1x1x16xf32> to vector<16xf32>
        %swap3A_572 = vector.shape_cast %mul3A_565 : vector<16xf32> to vector<1x1x16xf32>
        tpu.vector_store %arg7[%swap3A_567, %swap3A_568, %swap3A_569], %swap3A_572 {strides = array<i32>} : memref<2x256x64xf32, #tpu.memory_space<vmem>>, vector<1x1x16xf32>,
        %get3A_573 = arith.constant 1 : i32
        %get3A_574 = arith.index_cast %get3A_573 : i32 to index
        %get3A_575 = arith.index_cast %add3A_556 : i32 to index
        %get3A_576 = arith.constant 16 : index
        %get3A_577 = tpu.vector_load %arg6[%get3A_574, %get3A_575, %get3A_576] {strides = array<i32>} : memref<2x256x64xf32, #tpu.memory_space<vmem>>, vector<1x1x16xf32>,
        %get3A_578 = vector.shape_cast %get3A_577 : vector<1x1x16xf32> to vector<16xf32>
        %mul3A_579 = arith.constant 8.000000e+00 : f32
        %mul3A_580 = vector.broadcast %mul3A_579 : f32 to vector<16xf32>
        %mul3A_581 = arith.mulf %get3A_578, %mul3A_580 : vector<16xf32>
        %swap3A_582 = arith.constant 1 : i32
        %swap3A_583 = arith.index_cast %swap3A_582 : i32 to index
        %swap3A_584 = arith.index_cast %add3A_556 : i32 to index
        %swap3A_585 = arith.constant 16 : index
        %swap3A_586 = tpu.vector_load %arg7[%swap3A_583, %swap3A_584, %swap3A_585] {strides = array<i32>} : memref<2x256x64xf32, #tpu.memory_space<vmem>>, vector<1x1x16xf32>,
        %swap3A_587 = vector.shape_cast %swap3A_586 : vector<1x1x16xf32> to vector<16xf32>
        %swap3A_588 = vector.shape_cast %mul3A_581 : vector<16xf32> to vector<1x1x16xf32>
        tpu.vector_store %arg7[%swap3A_583, %swap3A_584, %swap3A_585], %swap3A_588 {strides = array<i32>} : memref<2x256x64xf32, #tpu.memory_space<vmem>>, vector<1x1x16xf32>,
        %get3A_589 = arith.constant 1 : i32
        %get3A_590 = arith.index_cast %get3A_589 : i32 to index
        %get3A_591 = arith.index_cast %add3A_556 : i32 to index
        %get3A_592 = arith.constant 32 : index
        %get3A_593 = tpu.vector_load %arg6[%get3A_590, %get3A_591, %get3A_592] {strides = array<i32>} : memref<2x256x64xf32, #tpu.memory_space<vmem>>, vector<1x1x16xf32>,
        %get3A_594 = vector.shape_cast %get3A_593 : vector<1x1x16xf32> to vector<16xf32>
        %mul3A_595 = arith.constant 8.000000e+00 : f32
        %mul3A_596 = vector.broadcast %mul3A_595 : f32 to vector<16xf32>
        %mul3A_597 = arith.mulf %get3A_594, %mul3A_596 : vector<16xf32>
        %swap3A_598 = arith.constant 1 : i32
        %swap3A_599 = arith.index_cast %swap3A_598 : i32 to index
        %swap3A_600 = arith.index_cast %add3A_556 : i32 to index
        %swap3A_601 = arith.constant 32 : index
        %swap3A_602 = tpu.vector_load %arg7[%swap3A_599, %swap3A_600, %swap3A_601] {strides = array<i32>} : memref<2x256x64xf32, #tpu.memory_space<vmem>>, vector<1x1x16xf32>,
        %swap3A_603 = vector.shape_cast %swap3A_602 : vector<1x1x16xf32> to vector<16xf32>
        %swap3A_604 = vector.shape_cast %mul3A_597 : vector<16xf32> to vector<1x1x16xf32>
        tpu.vector_store %arg7[%swap3A_599, %swap3A_600, %swap3A_601], %swap3A_604 {strides = array<i32>} : memref<2x256x64xf32, #tpu.memory_space<vmem>>, vector<1x1x16xf32>,
        %get3A_605 = arith.constant 1 : i32
        %get3A_606 = arith.index_cast %get3A_605 : i32 to index
        %get3A_607 = arith.index_cast %add3A_556 : i32 to index
        %get3A_608 = arith.constant 48 : index
        %get3A_609 = tpu.vector_load %arg6[%get3A_606, %get3A_607, %get3A_608] {strides = array<i32>} : memref<2x256x64xf32, #tpu.memory_space<vmem>>, vector<1x1x16xf32>,
        %get3A_610 = vector.shape_cast %get3A_609 : vector<1x1x16xf32> to vector<16xf32>
        %mul3A_611 = arith.constant 8.000000e+00 : f32
        %mul3A_612 = vector.broadcast %mul3A_611 : f32 to vector<16xf32>
        %mul3A_613 = arith.mulf %get3A_610, %mul3A_612 : vector<16xf32>
        %swap3A_614 = arith.constant 1 : i32
        %swap3A_615 = arith.index_cast %swap3A_614 : i32 to index
        %swap3A_616 = arith.index_cast %add3A_556 : i32 to index
        %swap3A_617 = arith.constant 48 : index
        %swap3A_618 = tpu.vector_load %arg7[%swap3A_615, %swap3A_616, %swap3A_617] {strides = array<i32>} : memref<2x256x64xf32, #tpu.memory_space<vmem>>, vector<1x1x16xf32>,
        %swap3A_619 = vector.shape_cast %swap3A_618 : vector<1x1x16xf32> to vector<16xf32>
        %swap3A_620 = vector.shape_cast %mul3A_613 : vector<16xf32> to vector<1x1x16xf32>
        tpu.vector_store %arg7[%swap3A_615, %swap3A_616, %swap3A_617], %swap3A_620 {strides = array<i32>} : memref<2x256x64xf32, #tpu.memory_space<vmem>>, vector<1x1x16xf32>,
        %mul3A_621 = arith.constant 8 : i32
        %mul3A_622 = arith.muli %scan3A_214, %mul3A_621 : i32
        %add3A_623 = arith.constant 6 : i32
        %add3A_624 = arith.addi %mul3A_622, %add3A_623 : i32
        %get3A_625 = arith.constant 1 : i32
        %get3A_626 = arith.index_cast %get3A_625 : i32 to index
        %get3A_627 = arith.index_cast %add3A_624 : i32 to index
        %get3A_628 = arith.constant 0 : index
        %get3A_629 = tpu.vector_load %arg6[%get3A_626, %get3A_627, %get3A_628] {strides = array<i32>} : memref<2x256x64xf32, #tpu.memory_space<vmem>>, vector<1x1x16xf32>,
        %get3A_630 = vector.shape_cast %get3A_629 : vector<1x1x16xf32> to vector<16xf32>
        %mul3A_631 = arith.constant 8.000000e+00 : f32
        %mul3A_632 = vector.broadcast %mul3A_631 : f32 to vector<16xf32>
        %mul3A_633 = arith.mulf %get3A_630, %mul3A_632 : vector<16xf32>
        %swap3A_634 = arith.constant 1 : i32
        %swap3A_635 = arith.index_cast %swap3A_634 : i32 to index
        %swap3A_636 = arith.index_cast %add3A_624 : i32 to index
        %swap3A_637 = arith.constant 0 : index
        %swap3A_638 = tpu.vector_load %arg7[%swap3A_635, %swap3A_636, %swap3A_637] {strides = array<i32>} : memref<2x256x64xf32, #tpu.memory_space<vmem>>, vector<1x1x16xf32>,
        %swap3A_639 = vector.shape_cast %swap3A_638 : vector<1x1x16xf32> to vector<16xf32>
        %swap3A_640 = vector.shape_cast %mul3A_633 : vector<16xf32> to vector<1x1x16xf32>
        tpu.vector_store %arg7[%swap3A_635, %swap3A_636, %swap3A_637], %swap3A_640 {strides = array<i32>} : memref<2x256x64xf32, #tpu.memory_space<vmem>>, vector<1x1x16xf32>,
        %get3A_641 = arith.constant 1 : i32
        %get3A_642 = arith.index_cast %get3A_641 : i32 to index
        %get3A_643 = arith.index_cast %add3A_624 : i32 to index
        %get3A_644 = arith.constant 16 : index
        %get3A_645 = tpu.vector_load %arg6[%get3A_642, %get3A_643, %get3A_644] {strides = array<i32>} : memref<2x256x64xf32, #tpu.memory_space<vmem>>, vector<1x1x16xf32>,
        %get3A_646 = vector.shape_cast %get3A_645 : vector<1x1x16xf32> to vector<16xf32>
        %mul3A_647 = arith.constant 8.000000e+00 : f32
        %mul3A_648 = vector.broadcast %mul3A_647 : f32 to vector<16xf32>
        %mul3A_649 = arith.mulf %get3A_646, %mul3A_648 : vector<16xf32>
        %swap3A_650 = arith.constant 1 : i32
        %swap3A_651 = arith.index_cast %swap3A_650 : i32 to index
        %swap3A_652 = arith.index_cast %add3A_624 : i32 to index
        %swap3A_653 = arith.constant 16 : index
        %swap3A_654 = tpu.vector_load %arg7[%swap3A_651, %swap3A_652, %swap3A_653] {strides = array<i32>} : memref<2x256x64xf32, #tpu.memory_space<vmem>>, vector<1x1x16xf32>,
        %swap3A_655 = vector.shape_cast %swap3A_654 : vector<1x1x16xf32> to vector<16xf32>
        %swap3A_656 = vector.shape_cast %mul3A_649 : vector<16xf32> to vector<1x1x16xf32>
        tpu.vector_store %arg7[%swap3A_651, %swap3A_652, %swap3A_653], %swap3A_656 {strides = array<i32>} : memref<2x256x64xf32, #tpu.memory_space<vmem>>, vector<1x1x16xf32>,
        %get3A_657 = arith.constant 1 : i32
        %get3A_658 = arith.index_cast %get3A_657 : i32 to index
        %get3A_659 = arith.index_cast %add3A_624 : i32 to index
        %get3A_660 = arith.constant 32 : index
        %get3A_661 = tpu.vector_load %arg6[%get3A_658, %get3A_659, %get3A_660] {strides = array<i32>} : memref<2x256x64xf32, #tpu.memory_space<vmem>>, vector<1x1x16xf32>,
        %get3A_662 = vector.shape_cast %get3A_661 : vector<1x1x16xf32> to vector<16xf32>
        %mul3A_663 = arith.constant 8.000000e+00 : f32
        %mul3A_664 = vector.broadcast %mul3A_663 : f32 to vector<16xf32>
        %mul3A_665 = arith.mulf %get3A_662, %mul3A_664 : vector<16xf32>
        %swap3A_666 = arith.constant 1 : i32
        %swap3A_667 = arith.index_cast %swap3A_666 : i32 to index
        %swap3A_668 = arith.index_cast %add3A_624 : i32 to index
        %swap3A_669 = arith.constant 32 : index
        %swap3A_670 = tpu.vector_load %arg7[%swap3A_667, %swap3A_668, %swap3A_669] {strides = array<i32>} : memref<2x256x64xf32, #tpu.memory_space<vmem>>, vector<1x1x16xf32>,
        %swap3A_671 = vector.shape_cast %swap3A_670 : vector<1x1x16xf32> to vector<16xf32>
        %swap3A_672 = vector.shape_cast %mul3A_665 : vector<16xf32> to vector<1x1x16xf32>
        tpu.vector_store %arg7[%swap3A_667, %swap3A_668, %swap3A_669], %swap3A_672 {strides = array<i32>} : memref<2x256x64xf32, #tpu.memory_space<vmem>>, vector<1x1x16xf32>,
        %get3A_673 = arith.constant 1 : i32
        %get3A_674 = arith.index_cast %get3A_673 : i32 to index
        %get3A_675 = arith.index_cast %add3A_624 : i32 to index
        %get3A_676 = arith.constant 48 : index
        %get3A_677 = tpu.vector_load %arg6[%get3A_674, %get3A_675, %get3A_676] {strides = array<i32>} : memref<2x256x64xf32, #tpu.memory_space<vmem>>, vector<1x1x16xf32>,
        %get3A_678 = vector.shape_cast %get3A_677 : vector<1x1x16xf32> to vector<16xf32>
        %mul3A_679 = arith.constant 8.000000e+00 : f32
        %mul3A_680 = vector.broadcast %mul3A_679 : f32 to vector<16xf32>
        %mul3A_681 = arith.mulf %get3A_678, %mul3A_680 : vector<16xf32>
        %swap3A_682 = arith.constant 1 : i32
        %swap3A_683 = arith.index_cast %swap3A_682 : i32 to index
        %swap3A_684 = arith.index_cast %add3A_624 : i32 to index
        %swap3A_685 = arith.constant 48 : index
        %swap3A_686 = tpu.vector_load %arg7[%swap3A_683, %swap3A_684, %swap3A_685] {strides = array<i32>} : memref<2x256x64xf32, #tpu.memory_space<vmem>>, vector<1x1x16xf32>,
        %swap3A_687 = vector.shape_cast %swap3A_686 : vector<1x1x16xf32> to vector<16xf32>
        %swap3A_688 = vector.shape_cast %mul3A_681 : vector<16xf32> to vector<1x1x16xf32>
        tpu.vector_store %arg7[%swap3A_683, %swap3A_684, %swap3A_685], %swap3A_688 {strides = array<i32>} : memref<2x256x64xf32, #tpu.memory_space<vmem>>, vector<1x1x16xf32>,
        %mul3A_689 = arith.constant 8 : i32
        %mul3A_690 = arith.muli %scan3A_214, %mul3A_689 : i32
        %add3A_691 = arith.constant 7 : i32
        %add3A_692 = arith.addi %mul3A_690, %add3A_691 : i32
        %get3A_693 = arith.constant 1 : i32
        %get3A_694 = arith.index_cast %get3A_693 : i32 to index
        %get3A_695 = arith.index_cast %add3A_692 : i32 to index
        %get3A_696 = arith.constant 0 : index
        %get3A_697 = tpu.vector_load %arg6[%get3A_694, %get3A_695, %get3A_696] {strides = array<i32>} : memref<2x256x64xf32, #tpu.memory_space<vmem>>, vector<1x1x16xf32>,
        %get3A_698 = vector.shape_cast %get3A_697 : vector<1x1x16xf32> to vector<16xf32>
        %mul3A_699 = arith.constant 8.000000e+00 : f32
        %mul3A_700 = vector.broadcast %mul3A_699 : f32 to vector<16xf32>
        %mul3A_701 = arith.mulf %get3A_698, %mul3A_700 : vector<16xf32>
        %swap3A_702 = arith.constant 1 : i32
        %swap3A_703 = arith.index_cast %swap3A_702 : i32 to index
        %swap3A_704 = arith.index_cast %add3A_692 : i32 to index
        %swap3A_705 = arith.constant 0 : index
        %swap3A_706 = tpu.vector_load %arg7[%swap3A_703, %swap3A_704, %swap3A_705] {strides = array<i32>} : memref<2x256x64xf32, #tpu.memory_space<vmem>>, vector<1x1x16xf32>,
        %swap3A_707 = vector.shape_cast %swap3A_706 : vector<1x1x16xf32> to vector<16xf32>
        %swap3A_708 = vector.shape_cast %mul3A_701 : vector<16xf32> to vector<1x1x16xf32>
        tpu.vector_store %arg7[%swap3A_703, %swap3A_704, %swap3A_705], %swap3A_708 {strides = array<i32>} : memref<2x256x64xf32, #tpu.memory_space<vmem>>, vector<1x1x16xf32>,
        %get3A_709 = arith.constant 1 : i32
        %get3A_710 = arith.index_cast %get3A_709 : i32 to index
        %get3A_711 = arith.index_cast %add3A_692 : i32 to index
        %get3A_712 = arith.constant 16 : index
        %get3A_713 = tpu.vector_load %arg6[%get3A_710, %get3A_711, %get3A_712] {strides = array<i32>} : memref<2x256x64xf32, #tpu.memory_space<vmem>>, vector<1x1x16xf32>,
        %get3A_714 = vector.shape_cast %get3A_713 : vector<1x1x16xf32> to vector<16xf32>
        %mul3A_715 = arith.constant 8.000000e+00 : f32
        %mul3A_716 = vector.broadcast %mul3A_715 : f32 to vector<16xf32>
        %mul3A_717 = arith.mulf %get3A_714, %mul3A_716 : vector<16xf32>
        %swap3A_718 = arith.constant 1 : i32
        %swap3A_719 = arith.index_cast %swap3A_718 : i32 to index
        %swap3A_720 = arith.index_cast %add3A_692 : i32 to index
        %swap3A_721 = arith.constant 16 : index
        %swap3A_722 = tpu.vector_load %arg7[%swap3A_719, %swap3A_720, %swap3A_721] {strides = array<i32>} : memref<2x256x64xf32, #tpu.memory_space<vmem>>, vector<1x1x16xf32>,
        %swap3A_723 = vector.shape_cast %swap3A_722 : vector<1x1x16xf32> to vector<16xf32>
        %swap3A_724 = vector.shape_cast %mul3A_717 : vector<16xf32> to vector<1x1x16xf32>
        tpu.vector_store %arg7[%swap3A_719, %swap3A_720, %swap3A_721], %swap3A_724 {strides = array<i32>} : memref<2x256x64xf32, #tpu.memory_space<vmem>>, vector<1x1x16xf32>,
        %get3A_725 = arith.constant 1 : i32
        %get3A_726 = arith.index_cast %get3A_725 : i32 to index
        %get3A_727 = arith.index_cast %add3A_692 : i32 to index
        %get3A_728 = arith.constant 32 : index
        %get3A_729 = tpu.vector_load %arg6[%get3A_726, %get3A_727, %get3A_728] {strides = array<i32>} : memref<2x256x64xf32, #tpu.memory_space<vmem>>, vector<1x1x16xf32>,
        %get3A_730 = vector.shape_cast %get3A_729 : vector<1x1x16xf32> to vector<16xf32>
        %mul3A_731 = arith.constant 8.000000e+00 : f32
        %mul3A_732 = vector.broadcast %mul3A_731 : f32 to vector<16xf32>
        %mul3A_733 = arith.mulf %get3A_730, %mul3A_732 : vector<16xf32>
        %swap3A_734 = arith.constant 1 : i32
        %swap3A_735 = arith.index_cast %swap3A_734 : i32 to index
        %swap3A_736 = arith.index_cast %add3A_692 : i32 to index
        %swap3A_737 = arith.constant 32 : index
        %swap3A_738 = tpu.vector_load %arg7[%swap3A_735, %swap3A_736, %swap3A_737] {strides = array<i32>} : memref<2x256x64xf32, #tpu.memory_space<vmem>>, vector<1x1x16xf32>,
        %swap3A_739 = vector.shape_cast %swap3A_738 : vector<1x1x16xf32> to vector<16xf32>
        %swap3A_740 = vector.shape_cast %mul3A_733 : vector<16xf32> to vector<1x1x16xf32>
        tpu.vector_store %arg7[%swap3A_735, %swap3A_736, %swap3A_737], %swap3A_740 {strides = array<i32>} : memref<2x256x64xf32, #tpu.memory_space<vmem>>, vector<1x1x16xf32>,
        %get3A_741 = arith.constant 1 : i32
        %get3A_742 = arith.index_cast %get3A_741 : i32 to index
        %get3A_743 = arith.index_cast %add3A_692 : i32 to index
        %get3A_744 = arith.constant 48 : index
        %get3A_745 = tpu.vector_load %arg6[%get3A_742, %get3A_743, %get3A_744] {strides = array<i32>} : memref<2x256x64xf32, #tpu.memory_space<vmem>>, vector<1x1x16xf32>,
        %get3A_746 = vector.shape_cast %get3A_745 : vector<1x1x16xf32> to vector<16xf32>
        %mul3A_747 = arith.constant 8.000000e+00 : f32
        %mul3A_748 = vector.broadcast %mul3A_747 : f32 to vector<16xf32>
        %mul3A_749 = arith.mulf %get3A_746, %mul3A_748 : vector<16xf32>
        %swap3A_750 = arith.constant 1 : i32
        %swap3A_751 = arith.index_cast %swap3A_750 : i32 to index
        %swap3A_752 = arith.index_cast %add3A_692 : i32 to index
        %swap3A_753 = arith.constant 48 : index
        %swap3A_754 = tpu.vector_load %arg7[%swap3A_751, %swap3A_752, %swap3A_753] {strides = array<i32>} : memref<2x256x64xf32, #tpu.memory_space<vmem>>, vector<1x1x16xf32>,
        %swap3A_755 = vector.shape_cast %swap3A_754 : vector<1x1x16xf32> to vector<16xf32>
        %swap3A_756 = vector.shape_cast %mul3A_749 : vector<16xf32> to vector<1x1x16xf32>
        tpu.vector_store %arg7[%swap3A_751, %swap3A_752, %swap3A_753], %swap3A_756 {strides = array<i32>} : memref<2x256x64xf32, #tpu.memory_space<vmem>>, vector<1x1x16xf32>,
      }
      %scan3A_190 = arith.constant 32 : i32
      %mul3A_191 = arith.constant 256 : i32
      %mul3A_192 = arith.muli %add3A_150, %mul3A_191 : i32
      %add3A_193 = arith.addi %mul3A_2, %mul3A_192 : i32
      %dma_start3A_194 = arith.constant 1 : i32
      %dma_start3A_195 = arith.constant 0 : i32
      %dma_start3A_196 = arith.constant 0 : i32
      %dma_start3A_197 = tpu.memref_slice %arg7[%dma_start3A_194, %dma_start3A_195, %dma_start3A_196] : memref<2x256x64xf32, #tpu.memory_space<vmem>> -> memref<1x256x64xf32, #tpu.memory_space<vmem>>
      %dma_start3A_198 = tpu.memref_squeeze %dma_start3A_197 : memref<1x256x64xf32, #tpu.memory_space<vmem>> -> memref<256x64xf32, #tpu.memory_space<vmem>>
      %dma_start3A_199 = arith.constant 0 : i32
      %dma_start3A_200 = tpu.memref_slice %arg4[%add3A_193, %dma_start3A_199] : memref<819200x64xf32, #tpu.memory_space<hbm>> -> memref<256x64xf32, #tpu.memory_space<hbm>>
      %dma_start3A_201 = arith.constant 0 : i32
      %dma_start3A_202 = tpu.memref_slice %arg4[%add3A_193, %dma_start3A_201] : memref<819200x64xf32, #tpu.memory_space<hbm>> -> memref<256x64xf32, #tpu.memory_space<hbm>>
      %dma_start3A_203 = arith.constant 0 : i32
      %dma_start3A_204 = arith.constant 0 : i32
      %dma_start3A_205 = tpu.memref_slice %arg7[%dma_start3A_194, %dma_start3A_203, %dma_start3A_204] : memref<2x256x64xf32, #tpu.memory_space<vmem>> -> memref<1x256x64xf32, #tpu.memory_space<vmem>>
      %dma_start3A_206 = tpu.memref_squeeze %dma_start3A_205 : memref<1x256x64xf32, #tpu.memory_space<vmem>> -> memref<256x64xf32, #tpu.memory_space<vmem>>
      tpu.enqueue_dma source(%dma_start3A_206 : memref<256x64xf32, #tpu.memory_space<vmem>>) target(%dma_start3A_202 : memref<256x64xf32, #tpu.memory_space<hbm>>) target_semaphore(%arg9 : memref<!tpu.dma_semaphore, #tpu.memory_space<semaphore_mem>>)
      %add3A_207 = arith.constant 2 : i32
      %add3A_208 = arith.addi %add3A_150, %add3A_207 : i32
      %lt3A_209 = arith.constant 100 : i32
      %lt3A_210 = arith.cmpi slt, %add3A_208, %lt3A_209 : i32
      %convert_element_type3A_211 = arith.extui %lt3A_210 : i1 to i32
      %cond3A_212 = arith.constant 0 : i32
      %cond3A_213 = arith.cmpi ne, %convert_element_type3A_211, %cond3A_212 : i32
      scf.if %cond3A_213 {
        %add3A_214 = arith.constant 2 : i32
        %add3A_215 = arith.addi %add3A_150, %add3A_214 : i32
        %mul3A_216 = arith.constant 2 : i32
        %mul3A_217 = arith.muli %add3A_215, %mul3A_216 : i32
        %add3A_218 = arith.constant 0 : i32
        %add3A_219 = arith.addi %mul3A_217, %add3A_218 : i32
        %mul3A_220 = arith.constant 2 : i32
        %mul3A_221 = arith.muli %add3A_215, %mul3A_220 : i32
        %add3A_222 = arith.constant 1 : i32
        %add3A_223 = arith.addi %mul3A_221, %add3A_222 : i32
        %dma_start3A_224 = arith.constant 1 : i32
        %dma_start3A_225 = arith.constant 0 : i32
        %dma_start3A_226 = arith.constant 0 : i32
        %dma_start3A_227 = tpu.memref_slice %arg6[%dma_start3A_224, %dma_start3A_225, %dma_start3A_226] : memref<2x256x64xf32, #tpu.memory_space<vmem>> -> memref<1x128x64xf32, #tpu.memory_space<vmem>>
        %dma_start3A_228 = tpu.memref_squeeze %dma_start3A_227 : memref<1x128x64xf32, #tpu.memory_space<vmem>> -> memref<128x64xf32, #tpu.memory_space<vmem>>
        %dma_start3A_229 = arith.constant 0 : i32
        %dma_start3A_230 = tpu.memref_slice %arg5[%add3A_219, %dma_start3A_229] : memref<200x128xi32, #tpu.memory_space<vmem>> -> memref<1x128xi32, #tpu.memory_space<vmem>>
        %dma_start3A_231 = tpu.memref_squeeze %dma_start3A_230 : memref<1x128xi32, #tpu.memory_space<vmem>> -> memref<128xi32, #tpu.memory_space<vmem>>
        %dma_start3A_232 = arith.constant 0 : i32
        %dma_start3A_233 = arith.constant 0 : i32
        %dma_start3A_234 = tpu.memref_slice %arg3[%dma_start3A_232, %dma_start3A_233] : memref<1000000x64xf32, #tpu.memory_space<hbm>> -> memref<1000000x64xf32, #tpu.memory_space<hbm>>
        tpu.enqueue_indirect_dma source(%dma_start3A_234 : memref<1000000x64xf32, #tpu.memory_space<hbm>>) target(%dma_start3A_228 : memref<128x64xf32, #tpu.memory_space<vmem>>) offsets(%dma_start3A_231 : memref<128xi32, #tpu.memory_space<vmem>>) semaphore(%arg8 : memref<!tpu.dma_semaphore, #tpu.memory_space<semaphore_mem>>)
        %dma_start3A_235 = arith.constant 1 : i32
        %dma_start3A_236 = arith.constant 128 : i32
        %dma_start3A_237 = arith.constant 0 : i32
        %dma_start3A_238 = tpu.memref_slice %arg6[%dma_start3A_235, %dma_start3A_236, %dma_start3A_237] : memref<2x256x64xf32, #tpu.memory_space<vmem>> -> memref<1x128x64xf32, #tpu.memory_space<vmem>>
        %dma_start3A_239 = tpu.memref_squeeze %dma_start3A_238 : memref<1x128x64xf32, #tpu.memory_space<vmem>> -> memref<128x64xf32, #tpu.memory_space<vmem>>
        %dma_start3A_240 = arith.constant 0 : i32
        %dma_start3A_241 = tpu.memref_slice %arg5[%add3A_223, %dma_start3A_240] : memref<200x128xi32, #tpu.memory_space<vmem>> -> memref<1x128xi32, #tpu.memory_space<vmem>>
        %dma_start3A_242 = tpu.memref_squeeze %dma_start3A_241 : memref<1x128xi32, #tpu.memory_space<vmem>> -> memref<128xi32, #tpu.memory_space<vmem>>
        %dma_start3A_243 = arith.constant 0 : i32
        %dma_start3A_244 = arith.constant 0 : i32
        %dma_start3A_245 = tpu.memref_slice %arg3[%dma_start3A_243, %dma_start3A_244] : memref<1000000x64xf32, #tpu.memory_space<hbm>> -> memref<1000000x64xf32, #tpu.memory_space<hbm>>
        tpu.enqueue_indirect_dma source(%dma_start3A_245 : memref<1000000x64xf32, #tpu.memory_space<hbm>>) target(%dma_start3A_239 : memref<128x64xf32, #tpu.memory_space<vmem>>) offsets(%dma_start3A_242 : memref<128xi32, #tpu.memory_space<vmem>>) semaphore(%arg8 : memref<!tpu.dma_semaphore, #tpu.memory_space<semaphore_mem>>)
      } else {
      }
    }
    %scan3A_53 = arith.constant 50 : i32
    %add3A_54 = arith.constant 25088 : i32
    %add3A_55 = arith.addi %mul3A_2, %add3A_54 : i32
    %dma_wait3A = arith.constant 0 : i32
    %dma_wait3A_56 = arith.constant 0 : i32
    %dma_wait3A_57 = arith.constant 0 : i32
    %dma_wait3A_58 = tpu.memref_slice %arg7[%dma_wait3A, %dma_wait3A_56, %dma_wait3A_57] : memref<2x256x64xf32, #tpu.memory_space<vmem>> -> memref<1x256x64xf32, #tpu.memory_space<vmem>>
    %dma_wait3A_59 = tpu.memref_squeeze %dma_wait3A_58 : memref<1x256x64xf32, #tpu.memory_space<vmem>> -> memref<256x64xf32, #tpu.memory_space<vmem>>
    %dma_wait3A_60 = arith.constant 0 : i32
    %dma_wait3A_61 = tpu.memref_slice %arg4[%add3A_55, %dma_wait3A_60] : memref<819200x64xf32, #tpu.memory_space<hbm>> -> memref<256x64xf32, #tpu.memory_space<hbm>>
    %dma_wait3A_62 = arith.constant 0 : i32
    %dma_wait3A_63 = tpu.memref_slice %arg4[%add3A_55, %dma_wait3A_62] : memref<819200x64xf32, #tpu.memory_space<hbm>> -> memref<256x64xf32, #tpu.memory_space<hbm>>
    %dma_wait3A_64 = arith.constant 0 : i32
    %dma_wait3A_65 = arith.constant 0 : i32
    %dma_wait3A_66 = tpu.memref_slice %arg7[%dma_wait3A, %dma_wait3A_64, %dma_wait3A_65] : memref<2x256x64xf32, #tpu.memory_space<vmem>> -> memref<1x256x64xf32, #tpu.memory_space<vmem>>
    %dma_wait3A_67 = tpu.memref_squeeze %dma_wait3A_66 : memref<1x256x64xf32, #tpu.memory_space<vmem>> -> memref<256x64xf32, #tpu.memory_space<vmem>>
    tpu.wait_dma2 semaphore(%arg9 : memref<!tpu.dma_semaphore, #tpu.memory_space<semaphore_mem>>) src(%dma_wait3A_67 : memref<256x64xf32, #tpu.memory_space<vmem>>) dst(%dma_wait3A_63 : memref<256x64xf32, #tpu.memory_space<hbm>>)
    %add3A_68 = arith.constant 25344 : i32
    %add3A_69 = arith.addi %mul3A_2, %add3A_68 : i32
    %dma_wait3A_70 = arith.constant 1 : i32
    %dma_wait3A_71 = arith.constant 0 : i32
    %dma_wait3A_72 = arith.constant 0 : i32
    %dma_wait3A_73 = tpu.memref_slice %arg7[%dma_wait3A_70, %dma_wait3A_71, %dma_wait3A_72] : memref<2x256x64xf32, #tpu.memory_space<vmem>> -> memref<1x256x64xf32, #tpu.memory_space<vmem>>
    %dma_wait3A_74 = tpu.memref_squeeze %dma_wait3A_73 : memref<1x256x64xf32, #tpu.memory_space<vmem>> -> memref<256x64xf32, #tpu.memory_space<vmem>>
    %dma_wait3A_75 = arith.constant 0 : i32
    %dma_wait3A_76 = tpu.memref_slice %arg4[%add3A_69, %dma_wait3A_75] : memref<819200x64xf32, #tpu.memory_space<hbm>> -> memref<256x64xf32, #tpu.memory_space<hbm>>
    %dma_wait3A_77 = arith.constant 0 : i32
    %dma_wait3A_78 = tpu.memref_slice %arg4[%add3A_69, %dma_wait3A_77] : memref<819200x64xf32, #tpu.memory_space<hbm>> -> memref<256x64xf32, #tpu.memory_space<hbm>>
    %dma_wait3A_79 = arith.constant 0 : i32
    %dma_wait3A_80 = arith.constant 0 : i32
    %dma_wait3A_81 = tpu.memref_slice %arg7[%dma_wait3A_70, %dma_wait3A_79, %dma_wait3A_80] : memref<2x256x64xf32, #tpu.memory_space<vmem>> -> memref<1x256x64xf32, #tpu.memory_space<vmem>>
    %dma_wait3A_82 = tpu.memref_squeeze %dma_wait3A_81 : memref<1x256x64xf32, #tpu.memory_space<vmem>> -> memref<256x64xf32, #tpu.memory_space<vmem>>
    tpu.wait_dma2 semaphore(%arg9 : memref<!tpu.dma_semaphore, #tpu.memory_space<semaphore_mem>>) src(%dma_wait3A_82 : memref<256x64xf32, #tpu.memory_space<vmem>>) dst(%dma_wait3A_78 : memref<256x64xf32, #tpu.memory_space<hbm>>)
    return
  }
}

</mosaic_0001>

<sc_bundles>
// kernel: _sc_embed.3.cloned.1.call-start
scs
__scs_entry_jumppad:
0x0: {  	(pc) =	sbr.rel $0x88, $3  }
0x1: {  	(tag) =	ssettag $0x0;
	lr =	simm.s32 $0x1  }
0x2: {  	[smem:$0x3F9F] =	sst lr;
	_ =	strace $0xD0000000  }
0x3: {  	_ = 	snop  }
0x4: {  	_ = 	snop  }
0x5: {  	_ = 	snop  }
0x6: {  	_ = 	snop  }
0x7: {  	_ = 	snop  }
__scs_overlays_trampoline_lowered:
0x8: {  	[smem:$0x3FAE] =	sst s0  }
0x9: {  	[smem:$0x3FAF] =	sst s1  }
0xa: {  	[smem:$0x3FB0] =	sst s2  }
0xb: {  	[smem:$0x3FB1] =	sst s3  }
0xc: {  	[smem:$0x3FB2] =	sst s4  }
0xd: {  	[smem:$0x3FB3] =	sst s5  }
0xe: {  	[smem:$0x3FB4] =	sst s6  }
0xf: {  	[smem:$0x3FB5] =	sst s7  }
0x10: {  	[smem:$0x3FB6] =	sst s8  }
0x11: {  	[smem:$0x3FB7] =	sst s9;
	s0 =	simm.s32 @!p0 $0x0  }
0x12: {  	s1 =	sld [smem:$0x3F9D];
	s0 =	simm.s32 @p0 $0x1  }
0x13: {  	[smem:$0x3FB8] =	sst s0;
	s0 =	simm.s32 @!p1 $0x0  }
0x14: {  	s2 =	sld [smem:$0x3F9C];
	s0 =	simm.s32 @p1 $0x1  }
0x15: {  	[smem:$0x3FB9] =	sst s0;
	s0 =	simm.s32 @!p2 $0x0  }
0x16: {  	s3 =	sld [smem:$0x3FDB];
	s0 =	simm.s32 @p2 $0x1  }
0x17: {  	s4 =	simm.s32 $0x1BF5;
	[smem:$0x3FBB] =	sst s0  }
0x18: {  	s0 =	sld [smem:$0x3F9E];
	_ =	swait.ge [sflag:s4], $0x0  }
0x19: {  	s7 =	sld [smem:$0x3F9F]  }
0x1a: {  	s8 =	sadd.s32 $0xFFFFE003, lr  }
0x1b: {  	s9 =	sadd.s32 $0xFFFFFEF7, lr;
	s5 =	simm.s32 $0xFFFFFFFF;
	p2 =	slt.u32 s8, $0xFFFFF086  }
0x1c: {  	p1 =	slt.u32 s9, $0xF7A;
	s5 =	simm.s32 @!p2 $0x0  }
0x1d: {  	s5 =	simm.s32 @p1 $0x1;
	p0 =	seq.s32 s7, s2  }
0x1e: {  	s7 =	smul.u32 @!p0 $0xF7A, s2;
	p2 =	seq.s32 @!p0 s5, $0x0  }
0x1f: {  	s9 =	smul.u32 $0xF7A, s1;
	s8 =	simm.s32 @!p0 $0x1BF5;
	p2 =	por !p2, p0  }
0x20: {  	[sflag:s8] =	ssyncset.s32 @!p0 $0xFFFFF086;
	s6 =	sadd.s32 @!p0 s3, s7;
	s7 =	simm.s32 @!p0 $0x108  }
0x21: {  	s3 =	sadd.s32 s3, s9;
	s6 =	sadd.s32 @!p0 $0x88, s6;
	s7 =	simm.s32 @p2 $0x1082  }
0x22: {  	[simem:s7], [sflag:s8] =	dma.local @!p0 [hbm:s6], $0xF7A  }
0x23: {  	s9 =	sor.u32 $0xD0000000, s2;
	s6 =	simm.s32 $0x108;
	_ =	swait.ge @!p0 [sflag:s8], $0x0  }
0x24: {  	s3 =	sadd.s32 $0x88, s3;
	s6 =	simm.s32 @!p1 $0x1082;
	[sflag:s4] =	ssyncset.s32 $0xFFFFF086  }
0x25: {  	[simem:s6], [sflag:s4] =	dma.local [hbm:s3], $0xF7A  }
0x26: {  	[smem:$0x3F9F] =	sst s1;
	(tag) =	ssettag s2;
	_ =	strace s9  }
0x27: {  	s1 =	sld [smem:$0x3FAF]  }
0x28: {  	s2 =	sld [smem:$0x3FB0]  }
0x29: {  	s4 =	sld [smem:$0x3FB2]  }
0x2a: {  	p0 =	seq.s32 s5, $0x0;
	s5 =	sld [smem:$0x3FB3]  }
0x2b: {  	s6 =	sld [smem:$0x3FB4]  }
0x2c: {  	s7 =	sld [smem:$0x3FB5]  }
0x2d: {  	s3 =	simm.s32 $0x108;
	s8 =	sld [smem:$0x3FB6]  }
0x2e: {  	s3 =	simm.s32 @!p0 $0x1082;
	s9 =	sld [smem:$0x3FB7]  }
0x2f: {  	lr =	sadd.s32 s0, s3;
	s0 =	sld [smem:$0x3FAE]  }
0x30: {  	s3 =	sld [smem:$0x3FB1]  }
0x31: {  	[smem:$0x3FBA] =	sst s10  }
0x32: {  	s10 =	sld [smem:$0x3FB8];
	_ =	sdelay $0x3  }
0x33: {  	p0 =	seq.s32 s10, $0x1;
	s10 =	sld [smem:$0x3FBA];
	_ =	sdelay $0x3  }
0x34: {  	[smem:$0x3FBA] =	sst s10  }
0x35: {  	s10 =	sld [smem:$0x3FB9];
	_ =	sdelay $0x3  }
0x36: {  	p1 =	seq.s32 s10, $0x1;
	s10 =	sld [smem:$0x3FBA];
	_ =	sdelay $0x3  }
0x37: {  	[smem:$0x3FBA] =	sst s10  }
0x38: {  	s10 =	sld [smem:$0x3FBB]  }
0x39: {  	_ = 	snop;
	(pc) =	sbr.ind lr, $3  }
0x3a: {  	_ = 	snop  }
0x3b: {  	_ = 	snop  }
0x3c: {  	p2 =	seq.s32 s10, $0x1;
	s10 =	sld [smem:$0x3FBA]  }
0x3d: {  	_ =	shalt  }
0x3e: {  	_ =	shalt  }
0x3f: {  	_ =	shalt  }
0x40: {  	_ =	shalt  }
0x41: {  	_ =	shalt  }
0x42: {  	_ =	shalt  }
0x43: {  	_ =	shalt  }
0x44: {  	_ =	shalt  }
0x45: {  	_ =	shalt  }
0x46: {  	_ =	shalt  }
0x47: {  	_ =	shalt  }
0x48: {  	_ =	shalt  }
0x49: {  	_ =	shalt  }
0x4a: {  	_ =	shalt  }
0x4b: {  	_ =	shalt  }
0x4c: {  	_ =	shalt  }
0x4d: {  	_ =	shalt  }
0x4e: {  	_ =	shalt  }
0x4f: {  	_ =	shalt  }
0x50: {  	_ =	shalt  }
0x51: {  	_ =	shalt  }
0x52: {  	_ =	shalt  }
0x53: {  	_ =	shalt  }
0x54: {  	_ =	shalt  }
0x55: {  	_ =	shalt  }
0x56: {  	_ =	shalt  }
0x57: {  	_ =	shalt  }
0x58: {  	_ =	shalt  }
0x59: {  	_ =	shalt  }
0x5a: {  	_ =	shalt  }
0x5b: {  	_ =	shalt  }
0x5c: {  	_ =	shalt  }
0x5d: {  	_ =	shalt  }
0x5e: {  	_ =	shalt  }
0x5f: {  	_ =	shalt  }
0x60: {  	_ =	shalt  }
0x61: {  	_ =	shalt  }
0x62: {  	_ =	shalt  }
0x63: {  	_ =	shalt  }
0x64: {  	_ =	shalt  }
0x65: {  	_ =	shalt  }
0x66: {  	_ =	shalt  }
0x67: {  	_ =	shalt  }
0x68: {  	_ =	shalt  }
0x69: {  	_ =	shalt  }
0x6a: {  	_ =	shalt  }
0x6b: {  	_ =	shalt  }
0x6c: {  	_ =	shalt  }
0x6d: {  	_ =	shalt  }
0x6e: {  	_ =	shalt  }
0x6f: {  	_ =	shalt  }
0x70: {  	_ =	shalt  }
0x71: {  	_ =	shalt  }
0x72: {  	_ =	shalt  }
0x73: {  	_ =	shalt  }
0x74: {  	_ =	shalt  }
0x75: {  	_ =	shalt  }
0x76: {  	_ =	shalt  }
0x77: {  	_ =	shalt  }
0x78: {  	_ =	shalt  }
0x79: {  	_ =	shalt  }
0x7a: {  	_ =	shalt  }
0x7b: {  	_ =	shalt  }
0x7c: {  	_ =	shalt  }
0x7d: {  	_ =	shalt  }
0x7e: {  	_ =	shalt  }
0x7f: {  	_ =	shalt  }
0x80: {  	_ =	shalt  }
0x81: {  	_ =	shalt  }
0x82: {  	_ =	shalt  }
0x83: {  	_ =	shalt  }
0x84: {  	_ =	shalt  }
0x85: {  	_ =	shalt  }
0x86: {  	_ =	shalt  }
0x87: {  	_ =	shalt  }
.Lfunc_end0:
.L_simem_size_0:
called_computation.1_lowered:
.L_overlay_start_0:
0x88: {  	s2 =	sld [smem:$0x3FD9]  }
0x89: {  	s3 =	sld [smem:$0x3FFE];
	_ =	sdelay $0x1  }
0x8a: {  	s1 =	srdreg.scid  }
0x8b: {  	s0 =	sand.u32 $0x1, s1  }
0x8c: {  	s17 =	sshll.u32 s0, $0xA;
	s2 =	sadd.s32 s3, s2  }
0x8d: {  	s2 =	sadd.s32 s2, s17  }
0x8e: {  	[smem:$0x3FC6] =	sst s2  }
0x8f: {  	_ = 	snop  }
0x90: {  	s2 =	sld [smem:$0x3FC9]  }
0x91: {  	s18 =	sld [smem:$0x3FD0];
	(tm) =	ssettm $0x1  }
0x92: {  	s4 =	sld [smem:$0x3FFB];
	_ =	sdelay $0x3  }
0x93: {  	_ =	strace s4  }
0x94: {  	s4 =	sld [smem:$0x3FFC];
	_ =	sdelay $0x3  }
0x95: {  	_ =	strace s4  }
0x96: {  	s4 =	sld [smem:$0x3FFD];
	_ =	sdelay $0x3  }
0x97: {  	_ =	strace s4  }
0x98: {  	_ =	strace $0x8FFFFFFF  }
0x99: {  	s19 =	sld [smem:$0x3FDB];
	_ =	sdelay $0x1  }
0x9a: {  	s5 =	simm.s32 $_scs_section_size  }
0x9b: {  	s6 =	simm.s32 $_size__tile_overlayer_lowered;
	s7 =	simm.s32 $_tile_overlayer_lowered  }
0x9c: {  	s22 =	simm.s32 $0x1BFF;
	s21 =	sshll.u32 s7, $0x1;
	s4 =	sadd.s32 s5, s19  }
0x9d: {  	s8 =	simm.s32 $0x0;
	s20 =	sshll.u32 s6, $0x1;
	s6 =	sadd.s32 s21, s4  }
0x9e: {  	[timem:s8], [sflag:s22] =	dma.local [hbm:s6], s20  }
0x9f: {  	_ =	swait.ge [sflag:s22], s20  }
0xa0: {  	s5 =	ssub.s32 $0x0, s20;
	[sflag:s22] =	ssyncset.done $0x0  }
0xa1: {  	[sflag:s22] =	ssyncadd.s32 s5;
	_ =	sdelay $0x1  }
0xa2: {  	s23 =	simm.s32 $0x1B8B  }
0xa3: {  	_ =	swait.ge [sflag:s23], $0x1  }
0xa4: {  	[sflag:s23] =	ssyncset.done $0x0  }
0xa5: {  	s25 =	simm.s32 $0x1B8E;
	s24 =	sld [smem:$0x3FFE];
	[sflag:s23] =	ssyncadd.s32 $0xFFFFFFFF  }
0xa6: {  	s26 =	simm.s32 $execute0_lowered;
	[smem:$0x3FD2] =	sst s25  }
0xa7: {  	s6 =	sshll.u32 s26, $0x1;
	_ =	strace $0x80000046;
	[dreg:$0x1] =	wrdreg $0xFFFFFFFF  }
0xa8: {  	s28 =	simm.s32 $_size_execute0_lowered;
	s4 =	sadd.s32 s4, s6;
	[dreg:$0x0] =	wrdreg $0x0  }
0xa9: {  	s6 =	sshll.u32 s28, $0x1;
	[dreg:$0x2] =	wrdreg s4  }
0xaa: {  	[dreg:$0x3] =	wrdreg s6  }
0xab: {  	[dreg:$0x4] =	wrdreg $0xC0  }
0xac: {  	_ =	task [dreg:s8], $0x5FFFF  }
0xad: {  	[dreg:$0x1] =	wrdreg $0xFFFFFFFF  }
0xae: {  	[dreg:$0x0] =	wrdreg $0x60  }
0xaf: {  	[dreg:$0x2] =	wrdreg s2  }
0xb0: {  	[dreg:$0x3] =	wrdreg s24  }
0xb1: {  	[dreg:$0x4] =	wrdreg s18  }
0xb2: {  	[dreg:$0x5] =	wrdreg $0x9  }
0xb3: {  	_ =	task.clear_ibuf [dreg:s8], $0x6FFFF;
	_ =	strace $0x90000046  }
0xb4: {  	s29 =	simm.s32 $0x9;
	_ =	strace $0x80000048  }
0xb5: {  	_ =	swait.ge [sflag:s29], $0x1  }
0xb6: {  	[sflag:s29] =	ssyncadd.s32 $0xFFFFFFFF  }
0xb7: {  	_ =	strace $0x90000048  }
0xb8: {  	_ =	sfence  }
0xb9: {  	s30 =	sld [smem:$0x0];
	_ =	sdelay $0x2  }
0xba: {  	s31 =	sshll.u32 s1, $0xD;
	s1 =	sshrl.u32 s1, $0x2  }
0xbb: {  	s3 =	sand.u32 $0x4000, s31;
	s1 =	sadd.s32 s1, s30  }
0xbc: {  	s0 =	sor.u32 s3, s0;
	s1 =	sshll.u32 s1, $0x11  }
0xbd: {  	s0 =	sor.u32 s1, s0  }
0xbe: {  	s0 =	sadd.s32 $0x8F2B, s0  }
0xbf: {  	[sflag:s0] =	ssyncadd.remote.s32 $0x1  }
0xc0: {  	_ =	sfence.sel $0xFFFF  }
0xc1: {  	[dreg:$0x0] =	wrdreg $0xFFFFFFFF;
	(pc) =	sbr.abs _section_cstart, $3  }
0xc2: {  	[dreg:$0x1] =	wrdreg $0xFFFFFFFF  }
0xc3: {  	_ =	task.clear_ibuf [dreg:s8], $0x2FFFF;
	_ =	strace $0x9FFFFFFF  }
0xc4: {  	(tm) =	ssettm $0x7FFFFFFF  }
0xc5: {  	_ =	shalt  }
tec
execute0_lowered:
.L_overlay_start_1:
0x0: {  	(tag) =	ssettag $0x1  }
0x1: {  	s5 =	rddreg [dreg:$0x0]  }
0x2: {  	s4 =	rddreg [dreg:$0x1]  }
0x3: {  	s1 =	srdreg.scid;
	s0 =	stileid.u32  }
0x4: {  	s2 =	rddreg [dreg:$0x2];
	s11 =	simm.s32 $0x6400;
	s12 =	simm.s32 $0x8400  }
0x5: {  	s13 =	simm.s32 $0x100;
	s14 =	simm.s32 $0xA400;
	s15 =	simm.s32 $0x180  }
0x6: {  	s16 =	simm.s32 $0xC400;
	s17 =	simm.s32 $0x1;
	s18 =	simm.s32 $0xE400  }
0x7: {  	s19 =	simm.s32 $0x12400;
	s6 =	sand.u32 $0x1, s1;
	s3 =	sshll.u32 s0, $0x1  }
0x8: {  	s20 =	simm.s32 $0x2;
	s21 =	simm.s32 $0x0;
	s7 =	sor.u32 s6, s3  }
0x9: {  	s1 =	rddreg [dreg:$0x3];
	s4 =	sadd.s32 $0xF42C00, s4;
	s8 =	smul.u32 $0xC80, s7  }
.Ltmp0:
0xa: {  	s3 =	simm.s32 $0x0;
	s6 =	ssub.s32 $0x2, s6;
	(pc) =	sbr.rel .LBB2_1-.Ltmp0, $4  }
0xb: {  	[smem:$0x7FF] =	sst s3;
	s9 =	sshrl.u32 s6, $0x1;
	s10 =	smul.u32 $0x32000, s7  }
0xc: {  	_ =	strace $0x80000047;
	s9 =	ssub.s32 s6, s9;
	s6 =	smul.u32 $0x190000, s7  }
0xd: {  	s5 =	sadd.s32 s5, s8;
	s31 =	sadd.s32 s10, s2;
	s7 =	smax.u32 s9, $0x1  }
0xe: {  	s9 =	simm.s32 $0x3;
	s10 =	simm.s32 $0x80;
	s8 =	sadd.s32 $0x800, s31  }
.LBB2_8:
0xf: {  	s21 =	sadd.s32 $0x1, s21  }
0x10: {  	_ =	swait.ge [sflag:s20], $0x4000;
	p0 =	sne.s32 s21, s7  }
.Ltmp1:
0x11: {  	[sflag:s20] =	ssyncset.done $0x0;
	(pc) =	sbr.rel @!p0 .LBB2_9-.Ltmp1, $4  }
0x12: {  	[sflag:s20] =	ssyncadd.s32 $0xFFFFC000  }
0x13: {  	_ =	swait.ge [sflag:s20], $0x4000  }
0x14: {  	[sflag:s20] =	ssyncset.done $0x0  }
0x15: {  	[sflag:s20] =	ssyncadd.s32 $0xFFFFC000  }
.LBB2_1:
0x16: {  	[tilespmem:s3], [sflag:$0x3] =	stream.linear.gather [hbm4b:s5+s3], $0x6400, $0x38;
	[tilespmem:$0x16400] =	vst v63  }
0x17: {  	_ =	swait.ge [sflag:s9], $0x6400  }
0x18: {  	[sflag:s9] =	ssyncset.done $0x0  }
0x19: {  	[sflag:s9] =	ssyncadd.s32 $0xFFFF9C00  }
0x1a: {  	[tilespmem:s11], [sflag:$0x1] =	stream.indirect.gather [hbm4b:s4+s10], $0x40, s3, s10, $0xb8;
	[tilespmem:$0x16400] =	vst v63  }
0x1b: {  	_ = 	snop  }
0x1c: {  	[tilespmem:s12], [sflag:$0x1] =	stream.indirect.gather [hbm4b:s4+s10], $0x40, s10, s10, $0xb8;
	[tilespmem:$0x16400] =	vst v63  }
0x1d: {  	_ = 	snop  }
0x1e: {  	[tilespmem:s14], [sflag:$0x1] =	stream.indirect.gather [hbm4b:s4+s10], $0x40, s13, s10, $0xb8;
	[tilespmem:$0x16400] =	vst v63  }
0x1f: {  	s22 =	simm.s32 $0x0  }
0x20: {  	[tilespmem:s16], [sflag:$0x1] =	stream.indirect.gather [hbm4b:s4+s10], $0x40, s15, s10, $0xb8;
	[tilespmem:$0x16400] =	vst v63  }
.LBB2_2:
0x21: {  	_ =	swait.ge [sflag:s17], $0x2000  }
0x22: {  	[sflag:s17] =	ssyncset.done $0x0  }
0x23: {  	[sflag:s17] =	ssyncadd.s32 $0xFFFFE000  }
0x24: {  	_ =	swait.ge [sflag:s17], $0x2000  }
0x25: {  	p0 =	seq.s32 s22, $0x0;
	[sflag:s17] =	ssyncset.done $0x0  }
0x26: {  	s23 =	simm.s32 @!p0 $0x2;
	[sflag:s17] =	ssyncadd.s32 $0xFFFFE000  }
0x27: {  	_ =	swait.ge @!p0 [sflag:s23], $0x4000  }
0x28: {  	[sflag:s23] =	ssyncset.done @!p0 $0x0  }
0x29: {  	s24 =	simm.s32 $0x0;
	[sflag:s23] =	ssyncadd.s32 @!p0 $0xFFFFC000  }
0x2a: {  	v0 =	vld [tilespmem:s24+$0x65F0]  }
0x2b: {  	v1 =	vld [tilespmem:s24+$0x6400];
	_ =	sdelay $0x1  }
0x2c: {  	v2 =	vld [tilespmem:s24+$0x6410]  }
0x2d: {  	v3 =	vld [tilespmem:s24+$0x6420]  }
0x2e: {  	v4 =	vld [tilespmem:s24+$0x6430];
	v0 =	vmul.f32 $8.000000000e+00, v0  }
0x2f: {  	v5 =	vld [tilespmem:s24+$0x6440];
	v1 =	vmul.f32 $8.000000000e+00, v1  }
0x30: {  	v6 =	vld [tilespmem:s24+$0x6450];
	[tilespmem:s24+$0xE5F0] =	vst v0  }
0x31: {  	v0 =	vmul.f32 $8.000000000e+00, v2;
	[tilespmem:s24+$0xE400] =	vst v1;
	v1 =	vld [tilespmem:s24+$0x6470]  }
0x32: {  	v7 =	vld [tilespmem:s24+$0x6460];
	v2 =	vmul.f32 $8.000000000e+00, v3  }
0x33: {  	v3 =	vmul.f32 $8.000000000e+00, v4;
	[tilespmem:s24+$0xE410] =	vst v0;
	v0 =	vld [tilespmem:s24+$0x6480]  }
0x34: {  	v4 =	vmul.f32 $8.000000000e+00, v5;
	[tilespmem:s24+$0xE420] =	vst v2;
	v2 =	vld [tilespmem:s24+$0x6490]  }
0x35: {  	v5 =	vmul.f32 $8.000000000e+00, v6;
	[tilespmem:s24+$0xE430] =	vst v3;
	v3 =	vld [tilespmem:s24+$0x64A0]  }
0x36: {  	[tilespmem:s24+$0xE440] =	vst v4;
	v4 =	vld [tilespmem:s24+$0x64B0];
	v1 =	vmul.f32 $8.000000000e+00, v1  }
0x37: {  	v6 =	vmul.f32 $8.000000000e+00, v7;
	[tilespmem:s24+$0xE450] =	vst v5;
	v5 =	vld [tilespmem:s24+$0x64C0]  }
0x38: {  	v0 =	vmul.f32 $8.000000000e+00, v0;
	[tilespmem:s24+$0xE470] =	vst v1;
	v1 =	vld [tilespmem:s24+$0x64E0]  }
0x39: {  	[tilespmem:s24+$0xE460] =	vst v6;
	v6 =	vld [tilespmem:s24+$0x64D0];
	v2 =	vmul.f32 $8.000000000e+00, v2  }
0x3a: {  	v3 =	vmul.f32 $8.000000000e+00, v3;
	[tilespmem:s24+$0xE480] =	vst v0;
	v0 =	vld [tilespmem:s24+$0x64F0]  }
0x3b: {  	v4 =	vmul.f32 $8.000000000e+00, v4;
	[tilespmem:s24+$0xE490] =	vst v2;
	v2 =	vld [tilespmem:s24+$0x6500]  }
0x3c: {  	v5 =	vmul.f32 $8.000000000e+00, v5;
	[tilespmem:s24+$0xE4A0] =	vst v3;
	v3 =	vld [tilespmem:s24+$0x6510]  }
0x3d: {  	[tilespmem:s24+$0xE4B0] =	vst v4;
	v4 =	vld [tilespmem:s24+$0x6520];
	v1 =	vmul.f32 $8.000000000e+00, v1  }
0x3e: {  	v6 =	vmul.f32 $8.000000000e+00, v6;
	[tilespmem:s24+$0xE4C0] =	vst v5;
	v5 =	vld [tilespmem:s24+$0x6530]  }
0x3f: {  	v0 =	vmul.f32 $8.000000000e+00, v0;
	[tilespmem:s24+$0xE4E0] =	vst v1;
	v1 =	vld [tilespmem:s24+$0x6550]  }
0x40: {  	[tilespmem:s24+$0xE4D0] =	vst v6;
	v6 =	vld [tilespmem:s24+$0x6540];
	v2 =	vmul.f32 $8.000000000e+00, v2  }
0x41: {  	[tilespmem:s24+$0xE4F0] =	vst v0;
	v0 =	vmul.f32 $8.000000000e+00, v3;
	v3 =	vld [tilespmem:s24+$0x6570]  }
0x42: {  	v7 =	vld [tilespmem:s24+$0x6560];
	[tilespmem:s24+$0xE500] =	vst v2;
	v2 =	vmul.f32 $8.000000000e+00, v4  }
0x43: {  	v4 =	vld [tilespmem:s24+$0x6580];
	[tilespmem:s24+$0xE510] =	vst v0;
	v0 =	vmul.f32 $8.000000000e+00, v5  }
0x44: {  	v8 =	vld [tilespmem:s24+$0x6590];
	[tilespmem:s24+$0xE520] =	vst v2;
	v5 =	vmul.f32 $8.000000000e+00, v1  }
0x45: {  	v2 =	vmul.f32 $8.000000000e+00, v6;
	[tilespmem:s24+$0xE530] =	vst v0;
	v0 =	vld [tilespmem:s24+$0x65A0]  }
0x46: {  	v1 =	vld [tilespmem:s24+$0x65B0];
	[tilespmem:s24+$0xE550] =	vst v5;
	v5 =	vmul.f32 $8.000000000e+00, v3  }
0x47: {  	v6 =	vmul.f32 $8.000000000e+00, v7;
	[tilespmem:s24+$0xE540] =	vst v2;
	v2 =	vld [tilespmem:s24+$0x65C0]  }
0x48: {  	v3 =	vld [tilespmem:s24+$0x65D0];
	[tilespmem:s24+$0xE570] =	vst v5;
	v5 =	vmul.f32 $8.000000000e+00, v4  }
0x49: {  	s25 =	simm.s32 $0x200;
	s26 =	simm.s32 $0x1000;
	s23 =	sshll.u32 s22, $0xB;
	[tilespmem:s24+$0xE560] =	vst v6;
	v6 =	vmul.f32 $8.000000000e+00, v8;
	v4 =	vld [tilespmem:s24+$0x65E0]  }
.LBB2_3:
0x4a: {  	p1 =	sne.s32 s26, $0xF800;
	v7 =	vld [tilespmem:s25+$0x65F0];
	[tilespmem:s24+$0xE580] =	vst v5;
	v0 =	vmul.f32 $8.000000000e+00, v0  }
0x4b: {  	v5 =	vld [tilespmem:s25+$0x6400];
	[tilespmem:s24+$0xE590] =	vst v6;
	v1 =	vmul.f32 $8.000000000e+00, v1  }
0x4c: {  	v6 =	vld [tilespmem:s25+$0x6410];
	[tilespmem:s24+$0xE5A0] =	vst v0;
	v0 =	vmul.f32 $8.000000000e+00, v2  }
0x4d: {  	v2 =	vld [tilespmem:s25+$0x6420];
	[tilespmem:s24+$0xE5B0] =	vst v1;
	v1 =	vmul.f32 $8.000000000e+00, v3  }
0x4e: {  	v3 =	vld [tilespmem:s25+$0x6430];
	[tilespmem:s24+$0xE5C0] =	vst v0;
	v0 =	vmul.f32 $8.000000000e+00, v4  }
0x4f: {  	v4 =	vld [tilespmem:s25+$0x6440];
	v7 =	vmul.f32 $8.000000000e+00, v7;
	[tilespmem:s24+$0xE5D0] =	vst v1  }
0x50: {  	v1 =	vmul.f32 $8.000000000e+00, v5;
	v5 =	vld [tilespmem:s25+$0x6450];
	[tilespmem:s24+$0xE5E0] =	vst v0;
	s24 =	smov.u32 s25  }
0x51: {  	v0 =	vmul.f32 $8.000000000e+00, v6;
	v6 =	vld [tilespmem:s24+$0x6460];
	[tilespmem:s24+$0xE5F0] =	vst v7  }
0x52: {  	[tilespmem:s24+$0xE400] =	vst v1;
	v1 =	vmul.f32 $8.000000000e+00, v2;
	v2 =	vld [tilespmem:s24+$0x6470]  }
0x53: {  	[tilespmem:s24+$0xE410] =	vst v0;
	v0 =	vmul.f32 $8.000000000e+00, v3;
	v3 =	vld [tilespmem:s24+$0x6480]  }
0x54: {  	[tilespmem:s24+$0xE420] =	vst v1;
	v1 =	vmul.f32 $8.000000000e+00, v4;
	v4 =	vld [tilespmem:s24+$0x6490]  }
0x55: {  	[tilespmem:s24+$0xE430] =	vst v0;
	v0 =	vmul.f32 $8.000000000e+00, v5;
	v5 =	vld [tilespmem:s24+$0x64A0]  }
0x56: {  	[tilespmem:s24+$0xE440] =	vst v1;
	v1 =	vmul.f32 $8.000000000e+00, v6;
	v6 =	vld [tilespmem:s24+$0x64B0]  }
0x57: {  	[tilespmem:s24+$0xE450] =	vst v0;
	v0 =	vmul.f32 $8.000000000e+00, v2;
	v2 =	vld [tilespmem:s24+$0x64C0]  }
0x58: {  	[tilespmem:s24+$0xE460] =	vst v1;
	v1 =	vmul.f32 $8.000000000e+00, v3;
	v3 =	vld [tilespmem:s24+$0x64D0]  }
0x59: {  	[tilespmem:s24+$0xE470] =	vst v0;
	v0 =	vmul.f32 $8.000000000e+00, v4;
	v4 =	vld [tilespmem:s24+$0x64E0]  }
0x5a: {  	[tilespmem:s24+$0xE480] =	vst v1;
	v1 =	vmul.f32 $8.000000000e+00, v5;
	v5 =	vld [tilespmem:s24+$0x64F0]  }
0x5b: {  	[tilespmem:s24+$0xE490] =	vst v0;
	v0 =	vmul.f32 $8.000000000e+00, v6;
	v6 =	vld [tilespmem:s24+$0x6500]  }
0x5c: {  	[tilespmem:s24+$0xE4A0] =	vst v1;
	v1 =	vmul.f32 $8.000000000e+00, v2;
	v2 =	vld [tilespmem:s24+$0x6510]  }
0x5d: {  	[tilespmem:s24+$0xE4B0] =	vst v0;
	v0 =	vmul.f32 $8.000000000e+00, v3;
	v3 =	vld [tilespmem:s24+$0x6520]  }
0x5e: {  	[tilespmem:s24+$0xE4C0] =	vst v1;
	v1 =	vmul.f32 $8.000000000e+00, v4;
	v4 =	vld [tilespmem:s24+$0x6530]  }
0x5f: {  	[tilespmem:s24+$0xE4D0] =	vst v0;
	v0 =	vmul.f32 $8.000000000e+00, v5;
	v5 =	vld [tilespmem:s24+$0x6540]  }
0x60: {  	[tilespmem:s24+$0xE4E0] =	vst v1;
	v1 =	vmul.f32 $8.000000000e+00, v6;
	v6 =	vld [tilespmem:s24+$0x6550]  }
0x61: {  	[tilespmem:s24+$0xE4F0] =	vst v0;
	v0 =	vmul.f32 $8.000000000e+00, v2;
	v2 =	vld [tilespmem:s24+$0x6560]  }
0x62: {  	[tilespmem:s24+$0xE500] =	vst v1;
	v1 =	vmul.f32 $8.000000000e+00, v3;
	v3 =	vld [tilespmem:s24+$0x6570]  }
0x63: {  	[tilespmem:s24+$0xE510] =	vst v0;
	v0 =	vmul.f32 $8.000000000e+00, v4;
	v4 =	vld [tilespmem:s24+$0x6580]  }
0x64: {  	[tilespmem:s24+$0xE520] =	vst v1;
	v1 =	vmul.f32 $8.000000000e+00, v5;
	v7 =	vld [tilespmem:s24+$0x6590]  }
.Ltmp2:
0x65: {  	[tilespmem:s24+$0xE530] =	vst v0;
	v5 =	vmul.f32 $8.000000000e+00, v6;
	v0 =	vld [tilespmem:s24+$0x65A0];
	(pc) =	sbr.rel @p1 .LBB2_3-.Ltmp2, $4  }
0x66: {  	[tilespmem:s24+$0xE540] =	vst v1;
	v6 =	vmul.f32 $8.000000000e+00, v2;
	v1 =	vld [tilespmem:s24+$0x65B0]  }
0x67: {  	[tilespmem:s24+$0xE550] =	vst v5;
	v8 =	vmul.f32 $8.000000000e+00, v3;
	v2 =	vld [tilespmem:s24+$0x65C0]  }
0x68: {  	[tilespmem:s24+$0xE560] =	vst v6;
	v5 =	vmul.f32 $8.000000000e+00, v4;
	v3 =	vld [tilespmem:s24+$0x65D0]  }
0x69: {  	s25 =	sshra.s32 s26, $0x2;
	s26 =	sadd.s32 $0x800, s26;
	[tilespmem:s24+$0xE570] =	vst v8;
	v6 =	vmul.f32 $8.000000000e+00, v7;
	v4 =	vld [tilespmem:s24+$0x65E0]  }
0x6a: {  	v7 =	vld [tilespmem:s25+$0x65F0];
	[tilespmem:s24+$0xE580] =	vst v5;
	v0 =	vmul.f32 $8.000000000e+00, v0  }
0x6b: {  	v5 =	vld [tilespmem:s25+$0x6400];
	[tilespmem:s24+$0xE590] =	vst v6;
	v1 =	vmul.f32 $8.000000000e+00, v1  }
0x6c: {  	v6 =	vld [tilespmem:s25+$0x6410];
	[tilespmem:s24+$0xE5A0] =	vst v0;
	v2 =	vmul.f32 $8.000000000e+00, v2  }
0x6d: {  	v0 =	vld [tilespmem:s25+$0x6420];
	[tilespmem:s24+$0xE5B0] =	vst v1;
	v3 =	vmul.f32 $8.000000000e+00, v3  }
0x6e: {  	v1 =	vld [tilespmem:s25+$0x6430];
	[tilespmem:s24+$0xE5C0] =	vst v2;
	v4 =	vmul.f32 $8.000000000e+00, v4  }
0x6f: {  	v2 =	vld [tilespmem:s25+$0x6440];
	[tilespmem:s24+$0xE5D0] =	vst v3;
	v7 =	vmul.f32 $8.000000000e+00, v7  }
0x70: {  	v3 =	vld [tilespmem:s25+$0x6450];
	[tilespmem:s24+$0xE5E0] =	vst v4;
	v4 =	vmul.f32 $8.000000000e+00, v5  }
0x71: {  	v5 =	vld [tilespmem:s25+$0x6460];
	[tilespmem:s25+$0xE5F0] =	vst v7;
	v6 =	vmul.f32 $8.000000000e+00, v6  }
0x72: {  	[tilespmem:s25+$0xE400] =	vst v4;
	v4 =	vld [tilespmem:s25+$0x6470];
	v0 =	vmul.f32 $8.000000000e+00, v0  }
0x73: {  	[tilespmem:s25+$0xE410] =	vst v6;
	v6 =	vld [tilespmem:s25+$0x6480];
	v1 =	vmul.f32 $8.000000000e+00, v1  }
0x74: {  	[tilespmem:s25+$0xE420] =	vst v0;
	v0 =	vld [tilespmem:s25+$0x6490];
	v2 =	vmul.f32 $8.000000000e+00, v2  }
0x75: {  	[tilespmem:s25+$0xE430] =	vst v1;
	v1 =	vld [tilespmem:s25+$0x64A0];
	v3 =	vmul.f32 $8.000000000e+00, v3  }
0x76: {  	[tilespmem:s25+$0xE440] =	vst v2;
	v2 =	vld [tilespmem:s25+$0x64B0];
	v5 =	vmul.f32 $8.000000000e+00, v5  }
0x77: {  	[tilespmem:s25+$0xE450] =	vst v3;
	v3 =	vld [tilespmem:s25+$0x64C0];
	v4 =	vmul.f32 $8.000000000e+00, v4  }
0x78: {  	[tilespmem:s25+$0xE460] =	vst v5;
	v5 =	vld [tilespmem:s25+$0x64D0];
	v6 =	vmul.f32 $8.000000000e+00, v6  }
0x79: {  	[tilespmem:s25+$0xE470] =	vst v4;
	v4 =	vld [tilespmem:s25+$0x64E0];
	v0 =	vmul.f32 $8.000000000e+00, v0  }
0x7a: {  	[tilespmem:s25+$0xE480] =	vst v6;
	v6 =	vld [tilespmem:s25+$0x64F0];
	v1 =	vmul.f32 $8.000000000e+00, v1  }
0x7b: {  	[tilespmem:s25+$0xE490] =	vst v0;
	v0 =	vld [tilespmem:s25+$0x6500];
	v2 =	vmul.f32 $8.000000000e+00, v2  }
0x7c: {  	[tilespmem:s25+$0xE4A0] =	vst v1;
	v1 =	vld [tilespmem:s25+$0x6510];
	v3 =	vmul.f32 $8.000000000e+00, v3  }
0x7d: {  	[tilespmem:s25+$0xE4B0] =	vst v2;
	v2 =	vld [tilespmem:s25+$0x6520];
	v5 =	vmul.f32 $8.000000000e+00, v5  }
0x7e: {  	[tilespmem:s25+$0xE4C0] =	vst v3;
	v3 =	vld [tilespmem:s25+$0x6530];
	v4 =	vmul.f32 $8.000000000e+00, v4  }
0x7f: {  	[tilespmem:s25+$0xE4D0] =	vst v5;
	v5 =	vld [tilespmem:s25+$0x6540];
	v6 =	vmul.f32 $8.000000000e+00, v6  }
0x80: {  	[tilespmem:s25+$0xE4E0] =	vst v4;
	v4 =	vld [tilespmem:s25+$0x6550];
	v0 =	vmul.f32 $8.000000000e+00, v0  }
0x81: {  	[tilespmem:s25+$0xE4F0] =	vst v6;
	v6 =	vld [tilespmem:s25+$0x6560];
	v1 =	vmul.f32 $8.000000000e+00, v1  }
0x82: {  	[tilespmem:s25+$0xE500] =	vst v0;
	v0 =	vld [tilespmem:s25+$0x6570];
	v2 =	vmul.f32 $8.000000000e+00, v2  }
0x83: {  	[tilespmem:s25+$0xE510] =	vst v1;
	v1 =	vld [tilespmem:s25+$0x6580];
	v3 =	vmul.f32 $8.000000000e+00, v3  }
0x84: {  	[tilespmem:s25+$0xE520] =	vst v2;
	v2 =	vld [tilespmem:s25+$0x6590];
	v5 =	vmul.f32 $8.000000000e+00, v5  }
0x85: {  	[tilespmem:s25+$0xE530] =	vst v3;
	v3 =	vld [tilespmem:s25+$0x65A0];
	v4 =	vmul.f32 $8.000000000e+00, v4  }
0x86: {  	[tilespmem:s25+$0xE540] =	vst v5;
	v5 =	vld [tilespmem:s25+$0x65B0];
	v6 =	vmul.f32 $8.000000000e+00, v6  }
0x87: {  	[tilespmem:s25+$0xE550] =	vst v4;
	v4 =	vld [tilespmem:s25+$0x65C0];
	v0 =	vmul.f32 $8.000000000e+00, v0  }
0x88: {  	[tilespmem:s25+$0xE560] =	vst v6;
	v6 =	vld [tilespmem:s25+$0x65D0];
	v1 =	vmul.f32 $8.000000000e+00, v1  }
0x89: {  	[tilespmem:s25+$0xE570] =	vst v0;
	v0 =	vmul.f32 $8.000000000e+00, v2;
	v2 =	vld [tilespmem:s25+$0x65E0]  }
0x8a: {  	[tilespmem:s25+$0xE580] =	vst v1;
	v1 =	vmul.f32 $8.000000000e+00, v3  }
0x8b: {  	[tilespmem:s25+$0xE590] =	vst v0;
	v0 =	vmul.f32 $8.000000000e+00, v5  }
0x8c: {  	[tilespmem:s25+$0xE5A0] =	vst v1;
	v1 =	vmul.f32 $8.000000000e+00, v4  }
0x8d: {  	s31 =	sshll.u32 s22, $0xF;
	[tilespmem:s25+$0xE5B0] =	vst v0;
	v0 =	vmul.f32 $8.000000000e+00, v6  }
0x8e: {  	s24 =	sadd.s32 s6, s31;
	[tilespmem:s25+$0xE5C0] =	vst v1;
	v1 =	vmul.f32 $8.000000000e+00, v2  }
0x8f: {  	s24 =	sshrl.u32 s24, $0x3;
	[tilespmem:s25+$0xE5D0] =	vst v0  }
0x90: {  	p1 =	seq.s32 s22, $0x31;
	s24 =	sadd.s32 s2, s24;
	[tilespmem:s25+$0xE5E0] =	vst v1  }
0x91: {  	[hbm4b:s24+s3] =	stream.linear.scatter [tilespmem:s18], [sflag:$0x2], $0x4000, $0x38;
	[tilespmem:$0x16400] =	vst v63  }
0x92: {  	s24 =	sshrl.u32 @!p1 s23, $0x2  }
0x93: {  	s26 =	simm.s32 @!p1 $0x80;
	s28 =	simm.s32 @!p1 $0x6400;
	s25 =	sadd.s32 @!p1 $0x200, s24  }
0x94: {  	[tilespmem:s28], [sflag:$0x1] =	stream.indirect.gather @!p1 [hbm4b:s4+s26], $0x40, s25, s26, $0xb8;
	[tilespmem:$0x16400] =	vst v63  }
0x95: {  	s24 =	sadd.s32 @!p1 $0x280, s24;
	s25 =	simm.s32 @!p1 $0x8400  }
0x96: {  	[tilespmem:s25], [sflag:$0x1] =	stream.indirect.gather @!p1 [hbm4b:s4+s26], $0x40, s24, s26, $0xb8;
	[tilespmem:$0x16400] =	vst v63  }
0x97: {  	_ =	swait.ge [sflag:s17], $0x2000  }
0x98: {  	[sflag:s17] =	ssyncset.done $0x0  }
0x99: {  	[sflag:s17] =	ssyncadd.s32 $0xFFFFE000  }
0x9a: {  	_ =	swait.ge [sflag:s17], $0x2000  }
0x9b: {  	[sflag:s17] =	ssyncset.done $0x0  }
0x9c: {  	s24 =	simm.s32 @!p0 $0x2;
	[sflag:s17] =	ssyncadd.s32 $0xFFFFE000  }
0x9d: {  	_ =	swait.ge @!p0 [sflag:s24], $0x4000  }
0x9e: {  	[sflag:s24] =	ssyncset.done @!p0 $0x0  }
0x9f: {  	[sflag:s24] =	ssyncadd.s32 @!p0 $0xFFFFC000;
	s24 =	simm.s32 $0x0  }
0xa0: {  	v0 =	vld [tilespmem:s24+$0xA5F0]  }
0xa1: {  	v1 =	vld [tilespmem:s24+$0xA400];
	_ =	sdelay $0x1  }
0xa2: {  	v2 =	vld [tilespmem:s24+$0xA410]  }
0xa3: {  	v3 =	vld [tilespmem:s24+$0xA420]  }
0xa4: {  	v4 =	vld [tilespmem:s24+$0xA430];
	v0 =	vmul.f32 $8.000000000e+00, v0  }
0xa5: {  	v5 =	vld [tilespmem:s24+$0xA440];
	v1 =	vmul.f32 $8.000000000e+00, v1  }
0xa6: {  	v6 =	vld [tilespmem:s24+$0xA450];
	[tilespmem:s24+$0x125F0] =	vst v0  }
0xa7: {  	v0 =	vmul.f32 $8.000000000e+00, v2;
	[tilespmem:s24+$0x12400] =	vst v1;
	v1 =	vld [tilespmem:s24+$0xA470]  }
0xa8: {  	v7 =	vld [tilespmem:s24+$0xA460];
	v2 =	vmul.f32 $8.000000000e+00, v3  }
0xa9: {  	v3 =	vmul.f32 $8.000000000e+00, v4;
	[tilespmem:s24+$0x12410] =	vst v0;
	v0 =	vld [tilespmem:s24+$0xA480]  }
0xaa: {  	v4 =	vmul.f32 $8.000000000e+00, v5;
	[tilespmem:s24+$0x12420] =	vst v2;
	v2 =	vld [tilespmem:s24+$0xA490]  }
0xab: {  	v5 =	vmul.f32 $8.000000000e+00, v6;
	[tilespmem:s24+$0x12430] =	vst v3;
	v3 =	vld [tilespmem:s24+$0xA4A0]  }
0xac: {  	[tilespmem:s24+$0x12440] =	vst v4;
	v4 =	vld [tilespmem:s24+$0xA4B0];
	v1 =	vmul.f32 $8.000000000e+00, v1  }
0xad: {  	v6 =	vmul.f32 $8.000000000e+00, v7;
	[tilespmem:s24+$0x12450] =	vst v5;
	v5 =	vld [tilespmem:s24+$0xA4C0]  }
0xae: {  	v0 =	vmul.f32 $8.000000000e+00, v0;
	[tilespmem:s24+$0x12470] =	vst v1;
	v1 =	vld [tilespmem:s24+$0xA4E0]  }
0xaf: {  	[tilespmem:s24+$0x12460] =	vst v6;
	v6 =	vld [tilespmem:s24+$0xA4D0];
	v2 =	vmul.f32 $8.000000000e+00, v2  }
0xb0: {  	v3 =	vmul.f32 $8.000000000e+00, v3;
	[tilespmem:s24+$0x12480] =	vst v0;
	v0 =	vld [tilespmem:s24+$0xA4F0]  }
0xb1: {  	v4 =	vmul.f32 $8.000000000e+00, v4;
	[tilespmem:s24+$0x12490] =	vst v2;
	v2 =	vld [tilespmem:s24+$0xA500]  }
0xb2: {  	v5 =	vmul.f32 $8.000000000e+00, v5;
	[tilespmem:s24+$0x124A0] =	vst v3;
	v3 =	vld [tilespmem:s24+$0xA510]  }
0xb3: {  	[tilespmem:s24+$0x124B0] =	vst v4;
	v4 =	vld [tilespmem:s24+$0xA520];
	v1 =	vmul.f32 $8.000000000e+00, v1  }
0xb4: {  	v6 =	vmul.f32 $8.000000000e+00, v6;
	[tilespmem:s24+$0x124C0] =	vst v5;
	v5 =	vld [tilespmem:s24+$0xA530]  }
0xb5: {  	v0 =	vmul.f32 $8.000000000e+00, v0;
	[tilespmem:s24+$0x124E0] =	vst v1;
	v1 =	vld [tilespmem:s24+$0xA550]  }
0xb6: {  	[tilespmem:s24+$0x124D0] =	vst v6;
	v6 =	vld [tilespmem:s24+$0xA540];
	v2 =	vmul.f32 $8.000000000e+00, v2  }
0xb7: {  	[tilespmem:s24+$0x124F0] =	vst v0;
	v0 =	vmul.f32 $8.000000000e+00, v3;
	v3 =	vld [tilespmem:s24+$0xA570]  }
0xb8: {  	v7 =	vld [tilespmem:s24+$0xA560];
	[tilespmem:s24+$0x12500] =	vst v2;
	v2 =	vmul.f32 $8.000000000e+00, v4  }
0xb9: {  	v4 =	vld [tilespmem:s24+$0xA580];
	[tilespmem:s24+$0x12510] =	vst v0;
	v0 =	vmul.f32 $8.000000000e+00, v5  }
0xba: {  	v8 =	vld [tilespmem:s24+$0xA590];
	[tilespmem:s24+$0x12520] =	vst v2;
	v5 =	vmul.f32 $8.000000000e+00, v1  }
0xbb: {  	v2 =	vmul.f32 $8.000000000e+00, v6;
	[tilespmem:s24+$0x12530] =	vst v0;
	v0 =	vld [tilespmem:s24+$0xA5A0]  }
0xbc: {  	v1 =	vld [tilespmem:s24+$0xA5B0];
	[tilespmem:s24+$0x12550] =	vst v5;
	v5 =	vmul.f32 $8.000000000e+00, v3  }
0xbd: {  	v6 =	vmul.f32 $8.000000000e+00, v7;
	[tilespmem:s24+$0x12540] =	vst v2;
	v2 =	vld [tilespmem:s24+$0xA5C0]  }
0xbe: {  	v3 =	vld [tilespmem:s24+$0xA5D0];
	[tilespmem:s24+$0x12570] =	vst v5;
	v5 =	vmul.f32 $8.000000000e+00, v4  }
0xbf: {  	s25 =	simm.s32 $0x200;
	s26 =	simm.s32 $0x1000;
	[tilespmem:s24+$0x12560] =	vst v6;
	v6 =	vmul.f32 $8.000000000e+00, v8;
	v4 =	vld [tilespmem:s24+$0xA5E0]  }
.LBB2_5:
0xc0: {  	p0 =	sne.s32 s26, $0xF800;
	v7 =	vld [tilespmem:s25+$0xA5F0];
	[tilespmem:s24+$0x12580] =	vst v5;
	v0 =	vmul.f32 $8.000000000e+00, v0  }
0xc1: {  	v5 =	vld [tilespmem:s25+$0xA400];
	[tilespmem:s24+$0x12590] =	vst v6;
	v1 =	vmul.f32 $8.000000000e+00, v1  }
0xc2: {  	v6 =	vld [tilespmem:s25+$0xA410];
	[tilespmem:s24+$0x125A0] =	vst v0;
	v0 =	vmul.f32 $8.000000000e+00, v2  }
0xc3: {  	v2 =	vld [tilespmem:s25+$0xA420];
	[tilespmem:s24+$0x125B0] =	vst v1;
	v1 =	vmul.f32 $8.000000000e+00, v3  }
0xc4: {  	v3 =	vld [tilespmem:s25+$0xA430];
	[tilespmem:s24+$0x125C0] =	vst v0;
	v0 =	vmul.f32 $8.000000000e+00, v4  }
0xc5: {  	v4 =	vld [tilespmem:s25+$0xA440];
	v7 =	vmul.f32 $8.000000000e+00, v7;
	[tilespmem:s24+$0x125D0] =	vst v1  }
0xc6: {  	v1 =	vmul.f32 $8.000000000e+00, v5;
	v5 =	vld [tilespmem:s25+$0xA450];
	[tilespmem:s24+$0x125E0] =	vst v0;
	s24 =	smov.u32 s25  }
0xc7: {  	v0 =	vmul.f32 $8.000000000e+00, v6;
	v6 =	vld [tilespmem:s24+$0xA460];
	[tilespmem:s24+$0x125F0] =	vst v7  }
0xc8: {  	[tilespmem:s24+$0x12400] =	vst v1;
	v1 =	vmul.f32 $8.000000000e+00, v2;
	v2 =	vld [tilespmem:s24+$0xA470]  }
0xc9: {  	[tilespmem:s24+$0x12410] =	vst v0;
	v0 =	vmul.f32 $8.000000000e+00, v3;
	v3 =	vld [tilespmem:s24+$0xA480]  }
0xca: {  	[tilespmem:s24+$0x12420] =	vst v1;
	v1 =	vmul.f32 $8.000000000e+00, v4;
	v4 =	vld [tilespmem:s24+$0xA490]  }
0xcb: {  	[tilespmem:s24+$0x12430] =	vst v0;
	v0 =	vmul.f32 $8.000000000e+00, v5;
	v5 =	vld [tilespmem:s24+$0xA4A0]  }
0xcc: {  	[tilespmem:s24+$0x12440] =	vst v1;
	v1 =	vmul.f32 $8.000000000e+00, v6;
	v6 =	vld [tilespmem:s24+$0xA4B0]  }
0xcd: {  	[tilespmem:s24+$0x12450] =	vst v0;
	v0 =	vmul.f32 $8.000000000e+00, v2;
	v2 =	vld [tilespmem:s24+$0xA4C0]  }
0xce: {  	[tilespmem:s24+$0x12460] =	vst v1;
	v1 =	vmul.f32 $8.000000000e+00, v3;
	v3 =	vld [tilespmem:s24+$0xA4D0]  }
0xcf: {  	[tilespmem:s24+$0x12470] =	vst v0;
	v0 =	vmul.f32 $8.000000000e+00, v4;
	v4 =	vld [tilespmem:s24+$0xA4E0]  }
0xd0: {  	[tilespmem:s24+$0x12480] =	vst v1;
	v1 =	vmul.f32 $8.000000000e+00, v5;
	v5 =	vld [tilespmem:s24+$0xA4F0]  }
0xd1: {  	[tilespmem:s24+$0x12490] =	vst v0;
	v0 =	vmul.f32 $8.000000000e+00, v6;
	v6 =	vld [tilespmem:s24+$0xA500]  }
0xd2: {  	[tilespmem:s24+$0x124A0] =	vst v1;
	v1 =	vmul.f32 $8.000000000e+00, v2;
	v2 =	vld [tilespmem:s24+$0xA510]  }
0xd3: {  	[tilespmem:s24+$0x124B0] =	vst v0;
	v0 =	vmul.f32 $8.000000000e+00, v3;
	v3 =	vld [tilespmem:s24+$0xA520]  }
0xd4: {  	[tilespmem:s24+$0x124C0] =	vst v1;
	v1 =	vmul.f32 $8.000000000e+00, v4;
	v4 =	vld [tilespmem:s24+$0xA530]  }
0xd5: {  	[tilespmem:s24+$0x124D0] =	vst v0;
	v0 =	vmul.f32 $8.000000000e+00, v5;
	v5 =	vld [tilespmem:s24+$0xA540]  }
0xd6: {  	[tilespmem:s24+$0x124E0] =	vst v1;
	v1 =	vmul.f32 $8.000000000e+00, v6;
	v6 =	vld [tilespmem:s24+$0xA550]  }
0xd7: {  	[tilespmem:s24+$0x124F0] =	vst v0;
	v0 =	vmul.f32 $8.000000000e+00, v2;
	v2 =	vld [tilespmem:s24+$0xA560]  }
0xd8: {  	[tilespmem:s24+$0x12500] =	vst v1;
	v1 =	vmul.f32 $8.000000000e+00, v3;
	v3 =	vld [tilespmem:s24+$0xA570]  }
0xd9: {  	[tilespmem:s24+$0x12510] =	vst v0;
	v0 =	vmul.f32 $8.000000000e+00, v4;
	v4 =	vld [tilespmem:s24+$0xA580]  }
0xda: {  	[tilespmem:s24+$0x12520] =	vst v1;
	v1 =	vmul.f32 $8.000000000e+00, v5;
	v7 =	vld [tilespmem:s24+$0xA590]  }
.Ltmp3:
0xdb: {  	[tilespmem:s24+$0x12530] =	vst v0;
	v5 =	vmul.f32 $8.000000000e+00, v6;
	v0 =	vld [tilespmem:s24+$0xA5A0];
	(pc) =	sbr.rel @p0 .LBB2_5-.Ltmp3, $4  }
0xdc: {  	[tilespmem:s24+$0x12540] =	vst v1;
	v6 =	vmul.f32 $8.000000000e+00, v2;
	v1 =	vld [tilespmem:s24+$0xA5B0]  }
0xdd: {  	[tilespmem:s24+$0x12550] =	vst v5;
	v8 =	vmul.f32 $8.000000000e+00, v3;
	v2 =	vld [tilespmem:s24+$0xA5C0]  }
0xde: {  	[tilespmem:s24+$0x12560] =	vst v6;
	v5 =	vmul.f32 $8.000000000e+00, v4;
	v3 =	vld [tilespmem:s24+$0xA5D0]  }
0xdf: {  	s25 =	sshra.s32 s26, $0x2;
	s26 =	sadd.s32 $0x800, s26;
	[tilespmem:s24+$0x12570] =	vst v8;
	v6 =	vmul.f32 $8.000000000e+00, v7;
	v4 =	vld [tilespmem:s24+$0xA5E0]  }
0xe0: {  	v7 =	vld [tilespmem:s25+$0xA5F0];
	[tilespmem:s24+$0x12580] =	vst v5;
	v0 =	vmul.f32 $8.000000000e+00, v0  }
0xe1: {  	v5 =	vld [tilespmem:s25+$0xA400];
	[tilespmem:s24+$0x12590] =	vst v6;
	v1 =	vmul.f32 $8.000000000e+00, v1  }
0xe2: {  	v6 =	vld [tilespmem:s25+$0xA410];
	[tilespmem:s24+$0x125A0] =	vst v0;
	v2 =	vmul.f32 $8.000000000e+00, v2  }
0xe3: {  	v0 =	vld [tilespmem:s25+$0xA420];
	[tilespmem:s24+$0x125B0] =	vst v1;
	v3 =	vmul.f32 $8.000000000e+00, v3  }
0xe4: {  	v1 =	vld [tilespmem:s25+$0xA430];
	[tilespmem:s24+$0x125C0] =	vst v2;
	v4 =	vmul.f32 $8.000000000e+00, v4  }
0xe5: {  	v2 =	vld [tilespmem:s25+$0xA440];
	[tilespmem:s24+$0x125D0] =	vst v3;
	v7 =	vmul.f32 $8.000000000e+00, v7  }
0xe6: {  	v3 =	vld [tilespmem:s25+$0xA450];
	[tilespmem:s24+$0x125E0] =	vst v4;
	v32 =	vmul.f32 $8.000000000e+00, v5  }
0xe7: {  	v33 =	vld [tilespmem:s25+$0xA460];
	[tilespmem:s25+$0x125F0] =	vst v7;
	v6 =	vmul.f32 $8.000000000e+00, v6  }
0xe8: {  	v34 =	vld [tilespmem:s25+$0xA470];
	[tilespmem:s25+$0x12400] =	vst v32;
	v0 =	vmul.f32 $8.000000000e+00, v0  }
0xe9: {  	v35 =	vld [tilespmem:s25+$0xA480];
	[tilespmem:s25+$0x12410] =	vst v6;
	v1 =	vmul.f32 $8.000000000e+00, v1  }
0xea: {  	v36 =	vld [tilespmem:s25+$0xA490];
	[tilespmem:s25+$0x12420] =	vst v0;
	v2 =	vmul.f32 $8.000000000e+00, v2  }
0xeb: {  	v37 =	vld [tilespmem:s25+$0xA4A0];
	[tilespmem:s25+$0x12430] =	vst v1;
	v3 =	vmul.f32 $8.000000000e+00, v3  }
0xec: {  	v38 =	vld [tilespmem:s25+$0xA4B0];
	[tilespmem:s25+$0x12440] =	vst v2;
	v5 =	vmul.f32 $8.000000000e+00, v33  }
0xed: {  	v52 =	vld [tilespmem:s25+$0xA590];
	v4 =	vmul.f32 $8.000000000e+00, v34;
	[tilespmem:s25+$0x12450] =	vst v3  }
0xee: {  	v53 =	vld [tilespmem:s25+$0xA5A0];
	v6 =	vmul.f32 $8.000000000e+00, v35;
	[tilespmem:s25+$0x12460] =	vst v5  }
0xef: {  	v54 =	vld [tilespmem:s25+$0xA5B0];
	v0 =	vmul.f32 $8.000000000e+00, v36;
	[tilespmem:s25+$0x12470] =	vst v4  }
0xf0: {  	v55 =	vld [tilespmem:s25+$0xA5C0];
	v1 =	vmul.f32 $8.000000000e+00, v37;
	[tilespmem:s25+$0x12480] =	vst v6  }
0xf1: {  	v56 =	vld [tilespmem:s25+$0xA5D0];
	v2 =	vmul.f32 $8.000000000e+00, v38;
	[tilespmem:s25+$0x12490] =	vst v0  }
0xf2: {  	v58 =	vld [tilespmem:s25+$0xA5E0];
	v57 =	vmul.f32 $8.000000000e+00, v52;
	[tilespmem:s25+$0x124A0] =	vst v1  }
0xf3: {  	v39 =	vld [tilespmem:s25+$0xA4C0];
	v59 =	vmul.f32 $8.000000000e+00, v53;
	[tilespmem:s25+$0x124B0] =	vst v2  }
0xf4: {  	v40 =	vld [tilespmem:s25+$0xA4D0];
	v60 =	vmul.f32 $8.000000000e+00, v54;
	[tilespmem:s25+$0x12590] =	vst v57  }
0xf5: {  	v41 =	vld [tilespmem:s25+$0xA4E0];
	v61 =	vmul.f32 $8.000000000e+00, v55;
	[tilespmem:s25+$0x125A0] =	vst v59  }
0xf6: {  	v42 =	vld [tilespmem:s25+$0xA4F0];
	v62 =	vmul.f32 $8.000000000e+00, v56;
	[tilespmem:s25+$0x125B0] =	vst v60  }
0xf7: {  	v43 =	vld [tilespmem:s25+$0xA500];
	v63 =	vmul.f32 $8.000000000e+00, v58;
	[tilespmem:s25+$0x125C0] =	vst v61  }
0xf8: {  	v44 =	vld [tilespmem:s25+$0xA510];
	v3 =	vmul.f32 $8.000000000e+00, v39;
	[tilespmem:s25+$0x125D0] =	vst v62  }
0xf9: {  	v45 =	vld [tilespmem:s25+$0xA520];
	v5 =	vmul.f32 $8.000000000e+00, v40;
	[tilespmem:s25+$0x125E0] =	vst v63  }
0xfa: {  	v46 =	vld [tilespmem:s25+$0xA530];
	v4 =	vmul.f32 $8.000000000e+00, v41;
	[tilespmem:s25+$0x124C0] =	vst v3  }
0xfb: {  	v47 =	vld [tilespmem:s25+$0xA540];
	v6 =	vmul.f32 $8.000000000e+00, v42;
	[tilespmem:s25+$0x124D0] =	vst v5  }
0xfc: {  	v48 =	vld [tilespmem:s25+$0xA550];
	v0 =	vmul.f32 $8.000000000e+00, v43;
	[tilespmem:s25+$0x124E0] =	vst v4  }
0xfd: {  	v49 =	vld [tilespmem:s25+$0xA560];
	v1 =	vmul.f32 $8.000000000e+00, v44;
	[tilespmem:s25+$0x124F0] =	vst v6  }
0xfe: {  	v50 =	vld [tilespmem:s25+$0xA570];
	v2 =	vmul.f32 $8.000000000e+00, v45;
	[tilespmem:s25+$0x12500] =	vst v0  }
0xff: {  	v51 =	vld [tilespmem:s25+$0xA580];
	v3 =	vmul.f32 $8.000000000e+00, v46;
	[tilespmem:s25+$0x12510] =	vst v1  }
0x100: {  	[tilespmem:s25+$0x12520] =	vst v2;
	v5 =	vmul.f32 $8.000000000e+00, v47  }
0x101: {  	v4 =	vmul.f32 $8.000000000e+00, v48;
	[tilespmem:s25+$0x12530] =	vst v3  }
0x102: {  	v6 =	vmul.f32 $8.000000000e+00, v49;
	[tilespmem:s25+$0x12540] =	vst v5  }
.Ltmp4:
0x103: {  	v0 =	vmul.f32 $8.000000000e+00, v50;
	[tilespmem:s25+$0x12550] =	vst v4;
	(pc) =	sbr.rel @p1 .LBB2_8-.Ltmp4, $4  }
0x104: {  	v1 =	vmul.f32 $8.000000000e+00, v51;
	[tilespmem:s25+$0x12560] =	vst v6  }
0x105: {  	s31 =	sshll.u32 s22, $0xC;
	[tilespmem:s25+$0x12570] =	vst v0  }
0x106: {  	s24 =	sadd.s32 s8, s31;
	[tilespmem:s25+$0x12580] =	vst v1  }
0x107: {  	[hbm4b:s24+s3] =	stream.linear.scatter [tilespmem:s19], [sflag:$0x2], $0x4000, $0x38;
	[tilespmem:$0x16400] =	vst v63  }
.Ltmp5:
0x108: {  	s23 =	sshrl.u32 s23, $0x2;
	(pc) =	sbr.rel .LBB2_2-.Ltmp5, $4  }
0x109: {  	s24 =	sadd.s32 $0x300, s23  }
0x10a: {  	[tilespmem:s14], [sflag:$0x1] =	stream.indirect.gather [hbm4b:s4+s10], $0x40, s24, s10, $0xb8;
	[tilespmem:$0x16400] =	vst v63  }
0x10b: {  	s22 =	sadd.s32 $0x1, s22;
	s23 =	sadd.s32 $0x380, s23  }
0x10c: {  	[tilespmem:s16], [sflag:$0x1] =	stream.indirect.gather [hbm4b:s4+s10], $0x40, s23, s10, $0xb8;
	[tilespmem:$0x16400] =	vst v63  }
.LBB2_9:
0x10d: {  	_ =	sfence.sel $0x180000  }
0x10e: {  	[bflag:$0x0] =	sbarrier.arrive $0xFFFF  }
0x10f: {  	p0 =	sne.s32 s0, $0x0;
	_ =	strace $0x90000047  }
0x110: {  	s0 =	sadd.s32 @!p0 $0x100000, s1;
	[bflag:$0x2] =	sbarrier.arrive $0xFFFF  }
0x111: {  	[sflag:s0] =	ssyncadd.tile.s32 @!p0 $0x1;
	_ =	shalt  }
.Lfunc_end2:
_tile_overlayer_lowered:
.L_overlay_start_2:
0x112: {  	(tag) =	ssettag $0x2  }
0x113: {  	s0 =	rddreg [dreg:$0x0];
	s2 =	stileid.u32  }
0x114: {  	s1 =	rddreg [dreg:$0x1];
	p0 =	sne.s32 s2, $0x0  }
0x115: {  	s3 =	rddreg [dreg:$0x2];
	[bflag:$0x3] =	sbarrier.arrive $0xFFFF;
	s2 =	simm.s32 @!p0 $0x1C03  }
0x116: {  	[timem:s3], [sflag:s2] =	dma.local @!p0 [hbm:s0], s1  }
0x117: {  	s0 =	simm.s32 @!p0 $0x3  }
0x118: {  	_ =	swait.ge @!p0 [sflag:s0], s1  }
0x119: {  	s1 =	ssub.s32 @!p0 $0x0, s1;
	[sflag:s0] =	ssyncset.done @!p0 $0x0  }
0x11a: {  	[sflag:s0] =	ssyncadd.s32 @!p0 s1  }
0x11b: {  	[bflag:$0x3] =	sbarrier.arrive $0xFFFF  }
0x11c: {  	_ =	shalt  }

// kernel: sparse-core-data-format-call.cloned.1.call-start
scs
called_computation_lowered:
.L_overlay_start_0:
0x0: {  	s2 =	sld [smem:$0x3FD9]  }
0x1: {  	s3 =	sld [smem:$0x3FFE];
	_ =	sdelay $0x1  }
0x2: {  	s1 =	srdreg.scid  }
0x3: {  	s0 =	sand.u32 $0x1, s1  }
0x4: {  	s18 =	sshll.u32 s0, $0xA;
	s2 =	sadd.s32 s3, s2  }
0x5: {  	s2 =	sadd.s32 s2, s18  }
0x6: {  	[smem:$0x3FC6] =	sst s2  }
0x7: {  	_ = 	snop  }
0x8: {  	s2 =	sld [smem:$0x3FD0];
	(tm) =	ssettm $0x1  }
0x9: {  	s19 =	sld [smem:$0x3FFB];
	_ =	sdelay $0x3  }
0xa: {  	_ =	strace s19  }
0xb: {  	s3 =	sld [smem:$0x3FFC];
	_ =	sdelay $0x3  }
0xc: {  	_ =	strace s3  }
0xd: {  	s3 =	sld [smem:$0x3FFD];
	_ =	sdelay $0x3  }
0xe: {  	_ =	strace s3  }
0xf: {  	_ =	strace $0x8FFFFFFF  }
0x10: {  	s20 =	sld [smem:$0x3FDB];
	_ =	sdelay $0x1  }
0x11: {  	s4 =	simm.s32 $_scs_section_size  }
0x12: {  	s5 =	simm.s32 $_size__tile_overlayer_lowered;
	s6 =	simm.s32 $_tile_overlayer_lowered  }
0x13: {  	s23 =	simm.s32 $0x1BFF;
	s22 =	sshll.u32 s6, $0x1;
	s3 =	sadd.s32 s4, s20  }
0x14: {  	s7 =	simm.s32 $0x0;
	s21 =	sshll.u32 s5, $0x1;
	s5 =	sadd.s32 s22, s3  }
0x15: {  	[timem:s7], [sflag:s23] =	dma.local [hbm:s5], s21  }
0x16: {  	_ =	swait.ge [sflag:s23], s21  }
0x17: {  	s4 =	ssub.s32 $0x0, s21;
	[sflag:s23] =	ssyncset.done $0x0  }
0x18: {  	[sflag:s23] =	ssyncadd.s32 s4;
	_ =	sdelay $0x1  }
0x19: {  	s24 =	simm.s32 $0x1B8B  }
0x1a: {  	_ =	swait.ge [sflag:s24], $0x1  }
0x1b: {  	[sflag:s24] =	ssyncset.done $0x0  }
0x1c: {  	s26 =	simm.s32 $0x1B8E;
	s25 =	sld [smem:$0x3FFE];
	[sflag:s24] =	ssyncadd.s32 $0xFFFFFFFF  }
0x1d: {  	s27 =	simm.s32 $execute0_lowered;
	[smem:$0x3FD2] =	sst s26  }
0x1e: {  	s5 =	sshll.u32 s27, $0x1;
	_ =	strace $0x80000049;
	[dreg:$0x1] =	wrdreg $0xFFFFFFFF  }
0x1f: {  	s28 =	simm.s32 $_size_execute0_lowered;
	s3 =	sadd.s32 s3, s5;
	[dreg:$0x0] =	wrdreg $0x0  }
0x20: {  	s5 =	sshll.u32 s28, $0x1;
	[dreg:$0x2] =	wrdreg s3  }
0x21: {  	[dreg:$0x3] =	wrdreg s5  }
0x22: {  	[dreg:$0x4] =	wrdreg $0xC0  }
0x23: {  	_ =	task [dreg:s7], $0x5FFFF  }
0x24: {  	[dreg:$0x1] =	wrdreg $0xFFFFFFFF  }
0x25: {  	[dreg:$0x0] =	wrdreg $0x60  }
0x26: {  	[dreg:$0x2] =	wrdreg s25  }
0x27: {  	[dreg:$0x3] =	wrdreg s2  }
0x28: {  	[dreg:$0x4] =	wrdreg $0x9  }
0x29: {  	_ =	task.clear_ibuf [dreg:s7], $0x5FFFF;
	_ =	strace $0x90000049  }
0x2a: {  	s29 =	simm.s32 $0x9;
	_ =	strace $0x8000004B  }
0x2b: {  	_ =	swait.ge [sflag:s29], $0x1  }
0x2c: {  	[sflag:s29] =	ssyncadd.s32 $0xFFFFFFFF  }
0x2d: {  	_ =	strace $0x9000004B  }
0x2e: {  	_ =	sfence  }
0x2f: {  	s30 =	sld [smem:$0x0];
	_ =	sdelay $0x2  }
0x30: {  	s31 =	sshll.u32 s1, $0xD;
	s1 =	sshrl.u32 s1, $0x2  }
0x31: {  	s3 =	sand.u32 $0x4000, s31;
	s1 =	sadd.s32 s1, s30  }
0x32: {  	s0 =	sor.u32 s3, s0;
	s1 =	sshll.u32 s1, $0x11  }
0x33: {  	s0 =	sor.u32 s1, s0  }
0x34: {  	s0 =	sadd.s32 $0x8F2B, s0  }
0x35: {  	[sflag:s0] =	ssyncadd.remote.s32 $0x1  }
0x36: {  	_ =	sfence.sel $0xFFFF  }
0x37: {  	[dreg:$0x0] =	wrdreg $0xFFFFFFFF;
	(pc) =	sbr.abs _section_cstart, $3  }
0x38: {  	[dreg:$0x1] =	wrdreg $0xFFFFFFFF  }
0x39: {  	_ =	task.clear_ibuf [dreg:s7], $0x2FFFF;
	_ =	strace $0x9FFFFFFF  }
0x3a: {  	(tm) =	ssettm $0x7FFFFFFF  }
0x3b: {  	_ =	shalt  }
tec
execute0_lowered:
.L_overlay_start_1:
0x0: {  	(tag) =	ssettag $0x1  }
0x1: {  	s0 =	srdreg.scid  }
0x2: {  	s1 =	sshll.u32 s0, $0x4  }
0x3: {  	s4 =	rddreg [dreg:$0x0];
	s0 =	stileid.u32;
	s1 =	sand.u32 $0x10, s1  }
0x4: {  	s2 =	rddreg [dreg:$0x1];
	s7 =	simm.s32 $0x1;
	s1 =	sor.u32 s0, s1  }
0x5: {  	s8 =	simm.s32 $0x2;
	s11 =	simm.s32 $0x0;
	s3 =	sshll.u32 s1, $0x7  }
0x6: {  	s10 =	simm.s32 $0x0;
	s4 =	sadd.s32 $0x800, s4;
	s6 =	ssub.s32 $0xC8000, s3  }
.Ltmp0:
0x7: {  	s1 =	rddreg [dreg:$0x2];
	s5 =	sand.u32 $0xF80, s6;
	(pc) =	sbr.rel .LBB1_1-.Ltmp0, $4  }
0x8: {  	_ =	strace $0x8000004A;
	s9 =	smov.u32 s3;
	p0 =	sne.s32 s5, $0x0  }
0x9: {  	s6 =	sshrl.u32 s6, $0xC;
	s5 =	simm.s32 $0x1;
	s7 =	simm.s32 @!p0 $0x0  }
0xa: {  	[sflag:s5] =	ssyncpa.u1 $0x0;
	p0 =	por $0x0, $0x0;
	s6 =	sadd.s32 s7, s6  }
0xb: {  	[sflag:s8] =	ssyncpa.u1 $0x0;
	s8 =	simm.s32 $0x640000;
	s7 =	sadd.s32 $0x1, s6  }
.LBB1_4:
0xc: {  	s14 =	sshll.u32 s11, $0x3  }
0xd: {  	s30 =	sand.u32 $0x7F, s11;
	s15 =	sand.u32 $0xFFFFFC00, s14  }
0xe: {  	s11 =	sor.u32 s30, s15  }
0xf: {  	s15 =	smulhi.u32 $0x51EB851F, s11  }
0x10: {  	s14 =	smulhi.u32 $0x51EB851F, s14  }
0x11: {  	s15 =	sshrl.u32 s15, $0x12  }
0x12: {  	s14 =	sshrl.u32 s14, $0x12;
	s15 =	smul.u32 $0xC8000, s15  }
0x13: {  	s14 =	sand.u32 $0x3F, s14  }
0x14: {  	s14 =	smul.u32 $0x19000, s14;
	s11 =	ssub.s32 s11, s15  }
0x15: {  	[tilespmem:s13+$0x810 ss:$0x81] =	vst.msk $0xffff, v2;
	s15 =	sand.u32 $0x7, s11  }
0x16: {  	[tilespmem:s13+$0x1020 ss:$0x81] =	vst.msk $0xffff, v0;
	s14 =	sadd.s32 s2, s14;
	s11 =	sshrl.u32 s11, $0x3;
	s15 =	sshll.u32 s15, $0x12  }
0x17: {  	[tilespmem:s13+$0x0 ss:$0x81] =	vst.msk $0xffff, v1;
	s11 =	sadd.s32 s11, s14;
	s31 =	sor.u32 $0x400, s15  }
0x18: {  	[hbm4b:s11+s31] =	stream.strided.scatter [tilespmem:s12], [sflag:$0x2], $0x2000, s8, s31, $0x20;
	[tilespmem:$0x8080] =	vst v63  }
.LBB1_5:
0x19: {  	s13 =	sadd.s32 $0x1000, s9  }
0x1a: {  	p2 =	sgt.s32 s13, $0xC7FFF  }
0x1b: {  	s13 =	smov.u32 @p2 s3;
	p2 =	sne.s32 s10, s7  }
.Ltmp1:
0x1c: {  	p1 =	slt.u32 s10, $0x2;
	(pc) =	sbr.rel @!p2 .LBB1_6-.Ltmp1, $4  }
0x1d: {  	s12 =	simm.s32 @!p1 $0x2  }
0x1e: {  	s14 =	sadd.s32 $0x1, s10;
	_ =	swait.ge @!p1 [sflag:s12], $0x2000  }
0x1f: {  	s11 =	smov.u32 s9;
	p0 =	por !p0, !p0;
	[sflag:s12] =	ssyncset.done @!p1 $0x0  }
0x20: {  	s10 =	smov.u32 s14;
	s9 =	smov.u32 s13;
	[sflag:s12] =	ssyncadd.s32 @!p1 $0xFFFFE000  }
.LBB1_1:
0x21: {  	p1 =	sge.u32 s10, s6  }
0x22: {  	s12 =	sand.u32 @!p1 $0x1FFFFFF, s9  }
0x23: {  	s13 =	smulhi.u32 @!p1 $0x147AE15, s12;
	_ =	sdelay $0x1  }
0x24: {  	s13 =	sshrl.u32 @!p1 s13, $0xC  }
0x25: {  	s13 =	smul.u32 @!p1 $0xC8000, s13;
	_ =	sdelay $0x1  }
0x26: {  	s31 =	sadd.s32 $0xFFFFFFFF, s10;
	s14 =	sxor.u32 @!p1 $0xFFFFFFFF, s10;
	s12 =	ssub.s32 @!p1 s12, s13  }
0x27: {  	s15 =	simm.s32 @!p1 $0x80;
	s14 =	sshll.u32 @!p1 s14, $0xD;
	s12 =	sshll.u32 @!p1 s12, $0x4  }
0x28: {  	s13 =	sand.u32 @!p1 $0x2000, s14;
	s14 =	simm.s32 @!p1 $0x40;
	s12 =	sadd.s32 @!p1 s4, s12  }
0x29: {  	[tilespmem:s13], [sflag:$0x1] =	stream.strided.gather @!p1 [hbm4b:s12+s14], $0x2000, s15, s14, $0x38;
	[tilespmem:$0x8080] =	vst v63  }
0x2a: {  	p1 =	sge.u32 s31, s6  }
.Ltmp2:
0x2b: {  	_ = 	snop;
	(pc) =	sbr.rel @p1 .LBB1_5-.Ltmp2, $1  }
0x2c: {  	_ =	sdelay $0x3  }
0x2d: {  	s12 =	simm.s32 $0x1  }
0x2e: {  	_ =	swait.ge [sflag:s5], $0x2000;
	s12 =	simm.s32 @!p0 $0x0  }
0x2f: {  	[sflag:s5] =	ssyncset.done $0x0;
	s13 =	sshll.u32 s12, $0xD  }
0x30: {  	[sflag:s5] =	ssyncadd.s32 $0xFFFFE000;
	s16 =	sor.u32 $0x20, s13  }
0x31: {  	s12 =	smul.u32 $0x8100, s12;
	v3 =	vld [tilespmem:s16+$0x10]  }
0x32: {  	s30 =	sand.u32 $0x1, s10;
	v2 =	vld [tilespmem:s16+$0xFFFFFFF0]  }
0x33: {  	s13 =	smul.u32 $0x8100, s30;
	s12 =	sshrl.u32 s12, $0x2;
	v0 =	vld [tilespmem:s16+$0x0]  }
0x34: {  	v1 =	vld [tilespmem:s16+$0xFFFFFFE0];
	s14 =	sor.u32 $0x4000, s12  }
0x35: {  	s31 =	sshrl.u32 s13, $0x2;
	s13 =	sadd.s32 $0x0, s14  }
0x36: {  	s15 =	simm.s32 $0x4;
	s16 =	sadd.s32 $0x40, s16;
	s12 =	sor.u32 $0x4000, s31;
	[tilespmem:s13+$0x1830 ss:$0x81] =	vst.msk $0xffff, v3  }
.LBB1_3:
0x37: {  	v3 =	vld [tilespmem:s16+$0x10];
	p1 =	sne.s32 s15, $0x1FC;
	[tilespmem:s13+$0x810 ss:$0x81] =	vst.msk $0xffff, v2;
	s17 =	smov.u32 s15;
	s15 =	sadd.s32 $0x4, s15  }
.Ltmp3:
0x38: {  	v2 =	vld [tilespmem:s16+$0xFFFFFFF0];
	[tilespmem:s13+$0x1020 ss:$0x81] =	vst.msk $0xffff, v0;
	(pc) =	sbr.rel @p1 .LBB1_3-.Ltmp3, $4  }
0x39: {  	v0 =	vld [tilespmem:s16+$0x0];
	[tilespmem:s13+$0x0 ss:$0x81] =	vst.msk $0xffff, v1  }
0x3a: {  	s13 =	sshra.s32 s17, $0x2;
	v1 =	vld [tilespmem:s16+$0xFFFFFFE0]  }
0x3b: {  	s13 =	sadd.s32 s13, s14  }
0x3c: {  	s16 =	sadd.s32 $0x40, s16;
	[tilespmem:s13+$0x1830 ss:$0x81] =	vst.msk $0xffff, v3  }
.Ltmp4:
0x3d: {  	_ = 	snop;
	(pc) =	sbr.rel .LBB1_4-.Ltmp4, $1  }
0x3e: {  	_ =	sdelay $0x3  }
.LBB1_6:
0x3f: {  	_ =	sfence.sel $0x180000  }
0x40: {  	s2 =	simm.s32 $0x1;
	[bflag:$0x0] =	sbarrier.arrive $0xFFFF  }
0x41: {  	s31 =	simm.s32 $0x2;
	[sflag:s2] =	ssyncpa.u1 $0x1  }
0x42: {  	[sflag:s31] =	ssyncpa.u1 $0x1  }
0x43: {  	p0 =	sne.s32 s0, $0x0;
	_ =	strace $0x9000004A  }
0x44: {  	s0 =	sadd.s32 @!p0 $0x100000, s1;
	[bflag:$0x2] =	sbarrier.arrive $0xFFFF  }
0x45: {  	[sflag:s0] =	ssyncadd.tile.s32 @!p0 $0x1;
	_ =	shalt  }
.Lfunc_end1:
_tile_overlayer_lowered:
.L_overlay_start_2:
0x46: {  	(tag) =	ssettag $0x2  }
0x47: {  	s0 =	rddreg [dreg:$0x0];
	s2 =	stileid.u32  }
0x48: {  	s1 =	rddreg [dreg:$0x1];
	p0 =	sne.s32 s2, $0x0  }
0x49: {  	s3 =	rddreg [dreg:$0x2];
	[bflag:$0x3] =	sbarrier.arrive $0xFFFF;
	s2 =	simm.s32 @!p0 $0x1C01  }
0x4a: {  	[timem:s3], [sflag:s2] =	dma.local @!p0 [hbm:s0], s1  }
0x4b: {  	s0 =	simm.s32 @!p0 $0x1  }
0x4c: {  	_ =	swait.ge @!p0 [sflag:s0], s1  }
0x4d: {  	s1 =	ssub.s32 @!p0 $0x0, s1;
	[sflag:s0] =	ssyncset.done @!p0 $0x0  }
0x4e: {  	[sflag:s0] =	ssyncadd.s32 @!p0 s1  }
0x4f: {  	[bflag:$0x3] =	sbarrier.arrive $0xFFFF  }
0x50: {  	_ =	shalt  }

</sc_bundles>
